<compile_context>
chip_gen: v7x
topology: tpu7x:2x2x1
jax: 0.10.2.dev20260603
libtpu: 0.0.44.dev20260713+nightly
codegen_flags: <defaults>
</compile_context>

<pallas_src>
import functools

import jax
import jax.numpy as jnp
from jax import lax
from jax.experimental import pallas as pl
from jax.experimental.pallas import tpu as pltpu
from jax.experimental.pallas import tpu_sc as plsc

_TT = 256
_TM = 256
_NW = 32
_NC = 2
_NE = 64

def _gate(x, wg, bg, n_exp):
    s = jnp.dot(x, wg, preferred_element_type=jnp.float32) + bg
    lane = jax.lax.broadcasted_iota(jnp.int32, s.shape, 1)
    m = jnp.max(s, axis=-1, keepdims=True)
    ex = jnp.exp(s - m)
    p = ex / jnp.sum(ex, axis=-1, keepdims=True)
    m0 = jnp.max(p, axis=-1, keepdims=True)
    i0 = jnp.min(jnp.where(p == m0, lane, n_exp), axis=-1, keepdims=True)
    neg = jnp.float32(-jnp.inf)
    pm1 = jnp.where(lane == i0, neg, p)
    m1 = jnp.max(pm1, axis=-1, keepdims=True)
    i1 = jnp.min(jnp.where(pm1 == m1, lane, n_exp), axis=-1, keepdims=True)
    r = jnp.exp(m1 - m0)
    w0 = 1.0 / (1.0 + r)
    w1 = r / (1.0 + r)
    return p, i0, w0, i1, w1


def _gate_body(n_tok, n_exp,
               x_ref, wg_ref, bg_ref,
               meta_ref, cnt_ref, emap_ref, aux_ref,
               run_ref, imp_ref, load_ref):
    tt = pl.program_id(0)
    nt = pl.num_programs(0)
    x = x_ref[...]
    p, i0, w0, i1, w1 = _gate(x, wg_ref[...], bg_ref[...], n_exp)

    @pl.when(tt == 0)
    def _():
        run_ref[...] = jnp.zeros_like(run_ref)
        imp_ref[...] = jnp.zeros_like(imp_ref)
        load_ref[...] = jnp.zeros_like(load_ref)

    lane = jax.lax.broadcasted_iota(jnp.int32, (_TT, n_exp), 1)
    oh0 = (lane == i0).astype(jnp.float32)
    oh1 = (lane == i1).astype(jnp.float32)
    ri = jax.lax.broadcasted_iota(jnp.int32, (_TT, _TT), 0)
    ci = jax.lax.broadcasted_iota(jnp.int32, (_TT, _TT), 1)
    tril = (ci < ri).astype(jnp.float32)
    pre0 = jnp.dot(tril, oh0, preferred_element_type=jnp.float32)
    pre1 = jnp.dot(tril, oh1, preferred_element_type=jnp.float32)
    cs0 = jnp.sum(oh0, axis=0, keepdims=True)
    cs1 = jnp.sum(oh1, axis=0, keepdims=True)
    run = run_ref[...]
    rank0 = jnp.sum((pre0 + run) * oh0, axis=1, keepdims=True)
    rank1 = jnp.sum((pre1 + run + cs0) * oh1, axis=1, keepdims=True)
    run_ref[...] = run + cs0 + cs1

    meta_ref[...] = jnp.concatenate(
        [i0.astype(jnp.float32), i1.astype(jnp.float32),
         rank0, rank1, w0, w1,
         jnp.zeros((_TT, 2), jnp.float32)], axis=1)

    imp_ref[...] += jnp.sum(p, axis=0, keepdims=True)
    load_ref[...] += jnp.sum((p > 0).astype(jnp.float32), axis=0,
                             keepdims=True)

    @pl.when(tt == nt - 1)
    def _():
        tf = jnp.float32(n_tok)
        cnt = run_ref[...]
        tmf = jnp.float32(_TM)
        padded = jnp.ceil(cnt / tmf) * tmf
        eri = jax.lax.broadcasted_iota(jnp.int32, (n_exp, n_exp), 0)
        eci = jax.lax.broadcasted_iota(jnp.int32, (n_exp, n_exp), 1)
        triu = (eri <= eci).astype(jnp.float32)
        ends = jnp.dot(padded, triu, preferred_element_type=jnp.float32)
        offp = ends - padded
        cnt_ref[...] = jnp.concatenate([cnt, offp], axis=1)
        tb = (jax.lax.broadcasted_iota(jnp.int32, (1, _NE), 1)
              .astype(jnp.float32) * jnp.float32(_TM))
        elane = jax.lax.broadcasted_iota(jnp.int32, (1, n_exp), 1)
        acc = jnp.zeros((1, _NE), jnp.int32)
        for e in range(n_exp):
            ee = jnp.sum(ends * (elane == e), axis=1, keepdims=True)
            acc += (ee <= tb).astype(jnp.int32)
        emap_ref[...] = jnp.minimum(acc, n_exp - 1)
        aux_ref[...] = jnp.sum(
            (imp_ref[...] / tf) * (load_ref[...] / tf),
            axis=-1, keepdims=True) * jnp.float32(n_exp)


def _run_gate(xf, Wg, bg, T, E, D):
    body = functools.partial(_gate_body, T, E)
    return pl.pallas_call(
        body,
        grid=(T // _TT,),
        in_specs=[
            pl.BlockSpec((_TT, D), lambda tt: (tt, 0)),
            pl.BlockSpec((D, E), lambda tt: (0, 0)),
            pl.BlockSpec((1, E), lambda tt: (0, 0)),
        ],
        out_specs=[
            pl.BlockSpec((_TT, 8), lambda tt: (tt, 0)),
            pl.BlockSpec((1, 16), lambda tt: (0, 0)),
            pl.BlockSpec((1, _NE), lambda tt: (0, 0)),
            pl.BlockSpec((1, 1), lambda tt: (0, 0)),
        ],
        out_shape=[
            jax.ShapeDtypeStruct((T, 8), jnp.float32),
            jax.ShapeDtypeStruct((1, 16), jnp.float32),
            jax.ShapeDtypeStruct((1, _NE), jnp.int32),
            jax.ShapeDtypeStruct((1, 1), jnp.float32),
        ],
        scratch_shapes=[
            pltpu.VMEM((1, E), jnp.float32),
            pltpu.VMEM((1, E), jnp.float32),
            pltpu.VMEM((1, E), jnp.float32),
        ],
        compiler_params=pltpu.CompilerParams(
            dimension_semantics=("arbitrary",)),
    )(xf, Wg, bg.reshape(1, E))


def _dispatch_sc(xf, pos0, pos1, NP):
    T, D = xf.shape
    rpw = T // _NW
    mesh = plsc.VectorSubcoreMesh(core_axis_name="c", subcore_axis_name="s")

    @functools.partial(
        pl.kernel, mesh=mesh,
        out_type=jax.ShapeDtypeStruct((NP, D), jnp.float32),
        scratch_types=[
            pltpu.VMEM((rpw,), jnp.int32),
            pltpu.VMEM((rpw,), jnp.int32),
            pltpu.VMEM((rpw, D), jnp.float32),
            pltpu.SemaphoreType.DMA,
            pltpu.SemaphoreType.DMA,
        ],
    )
    def k(x_hbm, p0_hbm, p1_hbm, xs_hbm, idx0_v, idx1_v, rows_v, sem0, sem1):
        wid = lax.axis_index("s") * _NC + lax.axis_index("c")
        base = wid * rpw
        pltpu.sync_copy(p0_hbm.at[pl.ds(base, rpw)], idx0_v)
        pltpu.sync_copy(p1_hbm.at[pl.ds(base, rpw)], idx1_v)
        pltpu.sync_copy(x_hbm.at[pl.ds(base, rpw)], rows_v)
        a = pltpu.async_copy(rows_v, xs_hbm.at[idx0_v], sem0)
        b = pltpu.async_copy(rows_v, xs_hbm.at[idx1_v], sem1)
        a.wait()
        b.wait()

    return k(xf, pos0, pos1)


def _combine_sc(ys, pos0, pos1, T):
    NP, D = ys.shape
    rpw = T // _NW
    mesh = plsc.VectorSubcoreMesh(core_axis_name="c", subcore_axis_name="s")

    @functools.partial(
        pl.kernel, mesh=mesh,
        out_type=[
            jax.ShapeDtypeStruct((T, D), jnp.float32),
            jax.ShapeDtypeStruct((T, D), jnp.float32),
        ],
        scratch_types=[
            pltpu.VMEM((rpw,), jnp.int32),
            pltpu.VMEM((rpw, D), jnp.float32),
            pltpu.SemaphoreType.DMA,
        ],
    )
    def k(ys_hbm, p0_hbm, p1_hbm, za_hbm, zb_hbm, idx_v, rows_v, sem):
        wid = lax.axis_index("s") * _NC + lax.axis_index("c")
        base = wid * rpw
        pltpu.sync_copy(p0_hbm.at[pl.ds(base, rpw)], idx_v)
        pltpu.async_copy(ys_hbm.at[idx_v], rows_v, sem).wait()
        pltpu.sync_copy(rows_v, za_hbm.at[pl.ds(base, rpw)])
        pltpu.sync_copy(p1_hbm.at[pl.ds(base, rpw)], idx_v)
        pltpu.async_copy(ys_hbm.at[idx_v], rows_v, sem).wait()
        pltpu.sync_copy(rows_v, zb_hbm.at[pl.ds(base, rpw)])

    return k(ys, pos0, pos1)


def _ffn_body(m_ref, xs_ref, w1_ref, b1_ref, w2_ref, b2_ref, ys_ref):
    e = m_ref[0, pl.program_id(0)]
    xb = xs_ref[...]
    h = jnp.maximum(
        jnp.dot(xb, w1_ref[e], preferred_element_type=jnp.float32)
        + b1_ref[e], 0.0)
    ys_ref[...] = (jnp.dot(h, w2_ref[e], preferred_element_type=jnp.float32)
                   + b2_ref[e])


def _run_ffn(emap, xs, W1, b1r, W2, b2r, NT, NP, D, H):
    grid_spec = pltpu.PrefetchScalarGridSpec(
        num_scalar_prefetch=1,
        grid=(NT,),
        in_specs=[
            pl.BlockSpec((_TM, D), lambda tt, m: (tt, 0)),
            pl.BlockSpec((8, D, H), lambda tt, m: (0, 0, 0)),
            pl.BlockSpec((8, 1, H), lambda tt, m: (0, 0, 0)),
            pl.BlockSpec((8, H, D), lambda tt, m: (0, 0, 0)),
            pl.BlockSpec((8, 1, D), lambda tt, m: (0, 0, 0)),
        ],
        out_specs=pl.BlockSpec((_TM, D), lambda tt, m: (tt, 0)),
    )
    return pl.pallas_call(
        _ffn_body,
        grid_spec=grid_spec,
        out_shape=jax.ShapeDtypeStruct((NP, D), jnp.float32),
        compiler_params=pltpu.CompilerParams(
            dimension_semantics=("arbitrary",)),
    )(emap, xs, W1, b1r, W2, b2r)


def _epilogue_body(za_ref, zb_ref, meta_ref, out_ref):
    w0 = meta_ref[:, 4:5]
    w1 = meta_ref[:, 5:6]
    out_ref[...] = w0 * za_ref[...] + w1 * zb_ref[...]


def _run_epilogue(za, zb, meta, T, D):
    tile = 512
    return pl.pallas_call(
        _epilogue_body,
        grid=(T // tile,),
        in_specs=[
            pl.BlockSpec((tile, D), lambda i: (i, 0)),
            pl.BlockSpec((tile, D), lambda i: (i, 0)),
            pl.BlockSpec((tile, 8), lambda i: (i, 0)),
        ],
        out_specs=pl.BlockSpec((tile, D), lambda i: (i, 0)),
        out_shape=jax.ShapeDtypeStruct((T, D), jnp.float32),
    )(za, zb, meta)


def kernel(x, Wg, bg, W1, b1, W2, b2):
    B, S, D = x.shape
    E = Wg.shape[1]
    H = W1.shape[2]
    T = B * S
    NP = 2 * T + E * _TM
    NT = NP // _TM
    xf = x.reshape(T, D)
    b1r = b1.reshape(E, 1, H)
    b2r = b2.reshape(E, 1, D)

    meta, cnt, emap, aux = _run_gate(xf, Wg, bg, T, E, D)
    offp = cnt[0, 8:16].astype(jnp.int32)
    pos0 = jnp.take(offp, meta[:, 0].astype(jnp.int32)) \
        + meta[:, 2].astype(jnp.int32)
    pos1 = jnp.take(offp, meta[:, 1].astype(jnp.int32)) \
        + meta[:, 3].astype(jnp.int32)

    xs = _dispatch_sc(xf, pos0, pos1, NP)
    ys = _run_ffn(emap, xs, W1, b1r, W2, b2r, NT, NP, D, H)
    za, zb = _combine_sc(ys, pos0, pos1, T)
    out = _run_epilogue(za, zb, meta, T, D)
    return out.reshape(B, S, D), aux[0, 0]

# --- scband reference (transcript-rebuilt; emitter-appended) ---
"""Pipeline reference for scband-enhanced-rptmodel-77515569758930 (READ-ONLY COPY).

The authoritative reference and input builder live on the scoring server;
editing this copy changes nothing except your own understanding.
"""

import jax, jax.numpy as jnp
import numpy as np

B, S, D, E, H, K = 2, 2048, 768, 8, 768, 2


def setup_inputs(seed: int = 0) -> dict:
    key = jax.random.key(seed)
    ks = jax.random.split(key, 8)
    x = jax.random.normal(ks[0], (B, S, D), dtype=jnp.float32)
    Wg = jax.random.normal(ks[1], (D, E), dtype=jnp.float32) * 0.02
    bg = jnp.zeros((E,), dtype=jnp.float32)
    W1 = jax.random.normal(ks[2], (E, D, H), dtype=jnp.float32) * 0.02
    b1 = jnp.zeros((E, H), dtype=jnp.float32)
    W2 = jax.random.normal(ks[3], (E, H, D), dtype=jnp.float32) * 0.02
    b2 = jnp.zeros((E, D), dtype=jnp.float32)
    return {"x": x, "Wg": Wg, "bg": bg, "W1": W1, "b1": b1, "W2": W2, "b2": b2}


def reference(x, Wg, bg, W1, b1, W2, b2):
    # MixtureOfExpertsLayer.forward (eval mode, dropout=0)
    Bq, Sq, Dq = x.shape
    x_flat = x.reshape(-1, Dq)                        # [T, D]
    gate_scores = x_flat @ Wg + bg                    # [T, E]
    gate_probs = jax.nn.softmax(gate_scores, axis=-1)  # [T, E]
    top_k_scores, top_k_indices = jax.lax.top_k(gate_probs, K)  # [T, K]
    top_k_probs = jax.nn.softmax(top_k_scores, axis=-1)          # [T, K]
    # combine weights: for each token, weight per expert (top-k experts are unique per row)
    onehot = jax.nn.one_hot(top_k_indices, E, dtype=x_flat.dtype)  # [T, K, E]
    combine = jnp.sum(top_k_probs[..., None] * onehot, axis=1)     # [T, E]
    # dense per-expert FFN: out_e(x) = relu(x W1_e + b1_e) W2_e + b2_e
    h = jax.nn.relu(jnp.einsum('td,edh->teh', x_flat, W1) + b1[None, :, :])  # [T, E, H]
    y = jnp.einsum('teh,ehd->ted', h, W2) + b2[None, :, :]                   # [T, E, D]
    out_flat = jnp.sum(combine[:, :, None] * y, axis=1)                      # [T, D]
    outputs = out_flat.reshape(Bq, Sq, Dq)
    # auxiliary load-balancing loss
    importance = gate_probs.mean(axis=0)
    load = (gate_probs > 0).astype(x_flat.dtype).mean(axis=0)
    aux_loss = jnp.sum(importance * load) * E
    return outputs, aux_loss

if __name__ == "__main__":
    import jax
    _d = setup_inputs()
    print(jax.jit(kernel)(*tuple(_d.values())))

</pallas_src>

<mosaic_0001>
#map = affine_map<(d0, d1) -> (0, 0)>
#map1 = affine_map<(d0, d1) -> (0)>
module attributes {stable_mosaic.version = 14 : i64} {
  func.func @k(%arg0: i32, %arg1: i32, %arg2: memref<4096x768xf32, #tpu.memory_space<hbm>>, %arg3: memref<4096xi32, #tpu.memory_space<hbm>>, %arg4: memref<4096xi32, #tpu.memory_space<hbm>>, %arg5: memref<10240x768xf32, #tpu.memory_space<hbm>>, %arg6: memref<128xi32, #tpu.memory_space<vmem>>, %arg7: memref<128xi32, #tpu.memory_space<vmem>>, %arg8: memref<128x768xf32, #tpu.memory_space<vmem>>, %arg9: memref<!tpu.dma_semaphore, #tpu.memory_space<semaphore_mem>>, %arg10: memref<!tpu.dma_semaphore, #tpu.memory_space<semaphore_mem>>) attributes {dimension_semantics = [#tpu.dimension_semantics<core_parallel>, #tpu.dimension_semantics<subcore_parallel>], iteration_bounds = array<i64: 2, 16>, scalar_prefetch = 0 : i64, scratch_operands = 5 : i64, tpu.core_type = #tpu.core_type<sc_vector_subcore>, window_params = [{transform_indices = #map}, {transform_indices = #map1}, {transform_indices = #map1}, {transform_indices = #map}]} {
    %mul3A = arith.constant 2 : i32
    %mul3A_0 = arith.muli %arg1, %mul3A : i32
    %add3A = arith.addi %mul3A_0, %arg0 : i32
    %mul3A_1 = arith.constant 128 : i32
    %mul3A_2 = arith.muli %add3A, %mul3A_1 : i32
    "tpu.region"() ({
      %run_scoped3A = tpu.sem_alloc : memref<!tpu.dma_semaphore, #tpu.memory_space<semaphore_mem>>
      %dma_start3A_13 = tpu.memref_slice %arg3[%mul3A_2] : memref<4096xi32, #tpu.memory_space<hbm>> -> memref<128xi32, #tpu.memory_space<hbm>>
      %dma_start3A_14 = tpu.memref_slice %arg3[%mul3A_2] : memref<4096xi32, #tpu.memory_space<hbm>> -> memref<128xi32, #tpu.memory_space<hbm>>
      tpu.enqueue_dma source(%dma_start3A_14 : memref<128xi32, #tpu.memory_space<hbm>>) target(%arg6 : memref<128xi32, #tpu.memory_space<vmem>>) target_semaphore(%run_scoped3A : memref<!tpu.dma_semaphore, #tpu.memory_space<semaphore_mem>>)
      %dma_wait3A_15 = tpu.memref_slice %arg3[%mul3A_2] : memref<4096xi32, #tpu.memory_space<hbm>> -> memref<128xi32, #tpu.memory_space<hbm>>
      %dma_wait3A_16 = tpu.memref_slice %arg3[%mul3A_2] : memref<4096xi32, #tpu.memory_space<hbm>> -> memref<128xi32, #tpu.memory_space<hbm>>
      tpu.wait_dma2 semaphore(%run_scoped3A : memref<!tpu.dma_semaphore, #tpu.memory_space<semaphore_mem>>) src(%dma_wait3A_16 : memref<128xi32, #tpu.memory_space<hbm>>) dst(%arg6 : memref<128xi32, #tpu.memory_space<vmem>>)
      tpu.yield
    }) : () -> ()
    "tpu.region"() ({
      %run_scoped3A = tpu.sem_alloc : memref<!tpu.dma_semaphore, #tpu.memory_space<semaphore_mem>>
      %dma_start3A_13 = tpu.memref_slice %arg4[%mul3A_2] : memref<4096xi32, #tpu.memory_space<hbm>> -> memref<128xi32, #tpu.memory_space<hbm>>
      %dma_start3A_14 = tpu.memref_slice %arg4[%mul3A_2] : memref<4096xi32, #tpu.memory_space<hbm>> -> memref<128xi32, #tpu.memory_space<hbm>>
      tpu.enqueue_dma source(%dma_start3A_14 : memref<128xi32, #tpu.memory_space<hbm>>) target(%arg7 : memref<128xi32, #tpu.memory_space<vmem>>) target_semaphore(%run_scoped3A : memref<!tpu.dma_semaphore, #tpu.memory_space<semaphore_mem>>)
      %dma_wait3A_15 = tpu.memref_slice %arg4[%mul3A_2] : memref<4096xi32, #tpu.memory_space<hbm>> -> memref<128xi32, #tpu.memory_space<hbm>>
      %dma_wait3A_16 = tpu.memref_slice %arg4[%mul3A_2] : memref<4096xi32, #tpu.memory_space<hbm>> -> memref<128xi32, #tpu.memory_space<hbm>>
      tpu.wait_dma2 semaphore(%run_scoped3A : memref<!tpu.dma_semaphore, #tpu.memory_space<semaphore_mem>>) src(%dma_wait3A_16 : memref<128xi32, #tpu.memory_space<hbm>>) dst(%arg7 : memref<128xi32, #tpu.memory_space<vmem>>)
      tpu.yield
    }) : () -> ()
    "tpu.region"() ({
      %run_scoped3A = tpu.sem_alloc : memref<!tpu.dma_semaphore, #tpu.memory_space<semaphore_mem>>
      %dma_start3A_13 = arith.constant 0 : i32
      %dma_start3A_14 = tpu.memref_slice %arg2[%mul3A_2, %dma_start3A_13] : memref<4096x768xf32, #tpu.memory_space<hbm>> -> memref<128x768xf32, #tpu.memory_space<hbm>>
      %dma_start3A_15 = arith.constant 0 : i32
      %dma_start3A_16 = tpu.memref_slice %arg2[%mul3A_2, %dma_start3A_15] : memref<4096x768xf32, #tpu.memory_space<hbm>> -> memref<128x768xf32, #tpu.memory_space<hbm>>
      tpu.enqueue_dma source(%dma_start3A_16 : memref<128x768xf32, #tpu.memory_space<hbm>>) target(%arg8 : memref<128x768xf32, #tpu.memory_space<vmem>>) target_semaphore(%run_scoped3A : memref<!tpu.dma_semaphore, #tpu.memory_space<semaphore_mem>>)
      %dma_wait3A_17 = arith.constant 0 : i32
      %dma_wait3A_18 = tpu.memref_slice %arg2[%mul3A_2, %dma_wait3A_17] : memref<4096x768xf32, #tpu.memory_space<hbm>> -> memref<128x768xf32, #tpu.memory_space<hbm>>
      %dma_wait3A_19 = arith.constant 0 : i32
      %dma_wait3A_20 = tpu.memref_slice %arg2[%mul3A_2, %dma_wait3A_19] : memref<4096x768xf32, #tpu.memory_space<hbm>> -> memref<128x768xf32, #tpu.memory_space<hbm>>
      tpu.wait_dma2 semaphore(%run_scoped3A : memref<!tpu.dma_semaphore, #tpu.memory_space<semaphore_mem>>) src(%dma_wait3A_20 : memref<128x768xf32, #tpu.memory_space<hbm>>) dst(%arg8 : memref<128x768xf32, #tpu.memory_space<vmem>>)
      tpu.yield
    }) : () -> ()
    %dma_start3A = arith.constant 0 : i32
    %dma_start3A_3 = arith.constant 0 : i32
    %dma_start3A_4 = tpu.memref_slice %arg5[%dma_start3A, %dma_start3A_3] : memref<10240x768xf32, #tpu.memory_space<hbm>> -> memref<10240x768xf32, #tpu.memory_space<hbm>>
    tpu.enqueue_indirect_dma source(%arg8 : memref<128x768xf32, #tpu.memory_space<vmem>>) target(%dma_start3A_4 : memref<10240x768xf32, #tpu.memory_space<hbm>>) offsets(%arg6 : memref<128xi32, #tpu.memory_space<vmem>>) semaphore(%arg9 : memref<!tpu.dma_semaphore, #tpu.memory_space<semaphore_mem>>)
    %dma_start3A_5 = arith.constant 0 : i32
    %dma_start3A_6 = arith.constant 0 : i32
    %dma_start3A_7 = tpu.memref_slice %arg5[%dma_start3A_5, %dma_start3A_6] : memref<10240x768xf32, #tpu.memory_space<hbm>> -> memref<10240x768xf32, #tpu.memory_space<hbm>>
    tpu.enqueue_indirect_dma source(%arg8 : memref<128x768xf32, #tpu.memory_space<vmem>>) target(%dma_start3A_7 : memref<10240x768xf32, #tpu.memory_space<hbm>>) offsets(%arg7 : memref<128xi32, #tpu.memory_space<vmem>>) semaphore(%arg10 : memref<!tpu.dma_semaphore, #tpu.memory_space<semaphore_mem>>)
    %dma_wait3A = arith.constant 0 : i32
    %dma_wait3A_8 = arith.constant 0 : i32
    %dma_wait3A_9 = tpu.memref_slice %arg5[%dma_wait3A, %dma_wait3A_8] : memref<10240x768xf32, #tpu.memory_space<hbm>> -> memref<10240x768xf32, #tpu.memory_space<hbm>>
    tpu.wait_indirect_dma semaphore(%arg9 : memref<!tpu.dma_semaphore, #tpu.memory_space<semaphore_mem>>) src(%arg8 : memref<128x768xf32, #tpu.memory_space<vmem>>) dst(%dma_wait3A_9 : memref<10240x768xf32, #tpu.memory_space<hbm>>)
    %dma_wait3A_10 = arith.constant 0 : i32
    %dma_wait3A_11 = arith.constant 0 : i32
    %dma_wait3A_12 = tpu.memref_slice %arg5[%dma_wait3A_10, %dma_wait3A_11] : memref<10240x768xf32, #tpu.memory_space<hbm>> -> memref<10240x768xf32, #tpu.memory_space<hbm>>
    tpu.wait_indirect_dma semaphore(%arg10 : memref<!tpu.dma_semaphore, #tpu.memory_space<semaphore_mem>>) src(%arg8 : memref<128x768xf32, #tpu.memory_space<vmem>>) dst(%dma_wait3A_12 : memref<10240x768xf32, #tpu.memory_space<hbm>>)
    return
  }
}

#map = affine_map<(d0, d1) -> (0, 0)>
#map1 = affine_map<(d0, d1) -> (0)>
module attributes {stable_mosaic.version = 14 : i64} {
  func.func @k(%arg0: i32, %arg1: i32, %arg2: memref<10240x768xf32, #tpu.memory_space<hbm>>, %arg3: memref<4096xi32, #tpu.memory_space<hbm>>, %arg4: memref<4096xi32, #tpu.memory_space<hbm>>, %arg5: memref<4096x768xf32, #tpu.memory_space<hbm>>, %arg6: memref<4096x768xf32, #tpu.memory_space<hbm>>, %arg7: memref<128xi32, #tpu.memory_space<vmem>>, %arg8: memref<128x768xf32, #tpu.memory_space<vmem>>, %arg9: memref<!tpu.dma_semaphore, #tpu.memory_space<semaphore_mem>>) attributes {dimension_semantics = [#tpu.dimension_semantics<core_parallel>, #tpu.dimension_semantics<subcore_parallel>], iteration_bounds = array<i64: 2, 16>, scalar_prefetch = 0 : i64, scratch_operands = 3 : i64, tpu.core_type = #tpu.core_type<sc_vector_subcore>, window_params = [{transform_indices = #map}, {transform_indices = #map1}, {transform_indices = #map1}, {transform_indices = #map}, {transform_indices = #map}]} {
    %mul3A = arith.constant 2 : i32
    %mul3A_0 = arith.muli %arg1, %mul3A : i32
    %add3A = arith.addi %mul3A_0, %arg0 : i32
    %mul3A_1 = arith.constant 128 : i32
    %mul3A_2 = arith.muli %add3A, %mul3A_1 : i32
    "tpu.region"() ({
      %run_scoped3A = tpu.sem_alloc : memref<!tpu.dma_semaphore, #tpu.memory_space<semaphore_mem>>
      %dma_start3A_13 = tpu.memref_slice %arg3[%mul3A_2] : memref<4096xi32, #tpu.memory_space<hbm>> -> memref<128xi32, #tpu.memory_space<hbm>>
      %dma_start3A_14 = tpu.memref_slice %arg3[%mul3A_2] : memref<4096xi32, #tpu.memory_space<hbm>> -> memref<128xi32, #tpu.memory_space<hbm>>
      tpu.enqueue_dma source(%dma_start3A_14 : memref<128xi32, #tpu.memory_space<hbm>>) target(%arg7 : memref<128xi32, #tpu.memory_space<vmem>>) target_semaphore(%run_scoped3A : memref<!tpu.dma_semaphore, #tpu.memory_space<semaphore_mem>>)
      %dma_wait3A_15 = tpu.memref_slice %arg3[%mul3A_2] : memref<4096xi32, #tpu.memory_space<hbm>> -> memref<128xi32, #tpu.memory_space<hbm>>
      %dma_wait3A_16 = tpu.memref_slice %arg3[%mul3A_2] : memref<4096xi32, #tpu.memory_space<hbm>> -> memref<128xi32, #tpu.memory_space<hbm>>
      tpu.wait_dma2 semaphore(%run_scoped3A : memref<!tpu.dma_semaphore, #tpu.memory_space<semaphore_mem>>) src(%dma_wait3A_16 : memref<128xi32, #tpu.memory_space<hbm>>) dst(%arg7 : memref<128xi32, #tpu.memory_space<vmem>>)
      tpu.yield
    }) : () -> ()
    %dma_start3A = arith.constant 0 : i32
    %dma_start3A_3 = arith.constant 0 : i32
    %dma_start3A_4 = tpu.memref_slice %arg2[%dma_start3A, %dma_start3A_3] : memref<10240x768xf32, #tpu.memory_space<hbm>> -> memref<10240x768xf32, #tpu.memory_space<hbm>>
    tpu.enqueue_indirect_dma source(%dma_start3A_4 : memref<10240x768xf32, #tpu.memory_space<hbm>>) target(%arg8 : memref<128x768xf32, #tpu.memory_space<vmem>>) offsets(%arg7 : memref<128xi32, #tpu.memory_space<vmem>>) semaphore(%arg9 : memref<!tpu.dma_semaphore, #tpu.memory_space<semaphore_mem>>)
    %dma_wait3A = arith.constant 0 : i32
    %dma_wait3A_5 = arith.constant 0 : i32
    %dma_wait3A_6 = tpu.memref_slice %arg2[%dma_wait3A, %dma_wait3A_5] : memref<10240x768xf32, #tpu.memory_space<hbm>> -> memref<10240x768xf32, #tpu.memory_space<hbm>>
    tpu.wait_indirect_dma semaphore(%arg9 : memref<!tpu.dma_semaphore, #tpu.memory_space<semaphore_mem>>) src(%dma_wait3A_6 : memref<10240x768xf32, #tpu.memory_space<hbm>>) dst(%arg8 : memref<128x768xf32, #tpu.memory_space<vmem>>)
    "tpu.region"() ({
      %run_scoped3A = tpu.sem_alloc : memref<!tpu.dma_semaphore, #tpu.memory_space<semaphore_mem>>
      %dma_start3A_13 = arith.constant 0 : i32
      %dma_start3A_14 = tpu.memref_slice %arg5[%mul3A_2, %dma_start3A_13] : memref<4096x768xf32, #tpu.memory_space<hbm>> -> memref<128x768xf32, #tpu.memory_space<hbm>>
      %dma_start3A_15 = arith.constant 0 : i32
      %dma_start3A_16 = tpu.memref_slice %arg5[%mul3A_2, %dma_start3A_15] : memref<4096x768xf32, #tpu.memory_space<hbm>> -> memref<128x768xf32, #tpu.memory_space<hbm>>
      tpu.enqueue_dma source(%arg8 : memref<128x768xf32, #tpu.memory_space<vmem>>) target(%dma_start3A_16 : memref<128x768xf32, #tpu.memory_space<hbm>>) target_semaphore(%run_scoped3A : memref<!tpu.dma_semaphore, #tpu.memory_space<semaphore_mem>>)
      %dma_wait3A_17 = arith.constant 0 : i32
      %dma_wait3A_18 = tpu.memref_slice %arg5[%mul3A_2, %dma_wait3A_17] : memref<4096x768xf32, #tpu.memory_space<hbm>> -> memref<128x768xf32, #tpu.memory_space<hbm>>
      %dma_wait3A_19 = arith.constant 0 : i32
      %dma_wait3A_20 = tpu.memref_slice %arg5[%mul3A_2, %dma_wait3A_19] : memref<4096x768xf32, #tpu.memory_space<hbm>> -> memref<128x768xf32, #tpu.memory_space<hbm>>
      tpu.wait_dma2 semaphore(%run_scoped3A : memref<!tpu.dma_semaphore, #tpu.memory_space<semaphore_mem>>) src(%arg8 : memref<128x768xf32, #tpu.memory_space<vmem>>) dst(%dma_wait3A_20 : memref<128x768xf32, #tpu.memory_space<hbm>>)
      tpu.yield
    }) : () -> ()
    "tpu.region"() ({
      %run_scoped3A = tpu.sem_alloc : memref<!tpu.dma_semaphore, #tpu.memory_space<semaphore_mem>>
      %dma_start3A_13 = tpu.memref_slice %arg4[%mul3A_2] : memref<4096xi32, #tpu.memory_space<hbm>> -> memref<128xi32, #tpu.memory_space<hbm>>
      %dma_start3A_14 = tpu.memref_slice %arg4[%mul3A_2] : memref<4096xi32, #tpu.memory_space<hbm>> -> memref<128xi32, #tpu.memory_space<hbm>>
      tpu.enqueue_dma source(%dma_start3A_14 : memref<128xi32, #tpu.memory_space<hbm>>) target(%arg7 : memref<128xi32, #tpu.memory_space<vmem>>) target_semaphore(%run_scoped3A : memref<!tpu.dma_semaphore, #tpu.memory_space<semaphore_mem>>)
      %dma_wait3A_15 = tpu.memref_slice %arg4[%mul3A_2] : memref<4096xi32, #tpu.memory_space<hbm>> -> memref<128xi32, #tpu.memory_space<hbm>>
      %dma_wait3A_16 = tpu.memref_slice %arg4[%mul3A_2] : memref<4096xi32, #tpu.memory_space<hbm>> -> memref<128xi32, #tpu.memory_space<hbm>>
      tpu.wait_dma2 semaphore(%run_scoped3A : memref<!tpu.dma_semaphore, #tpu.memory_space<semaphore_mem>>) src(%dma_wait3A_16 : memref<128xi32, #tpu.memory_space<hbm>>) dst(%arg7 : memref<128xi32, #tpu.memory_space<vmem>>)
      tpu.yield
    }) : () -> ()
    %dma_start3A_7 = arith.constant 0 : i32
    %dma_start3A_8 = arith.constant 0 : i32
    %dma_start3A_9 = tpu.memref_slice %arg2[%dma_start3A_7, %dma_start3A_8] : memref<10240x768xf32, #tpu.memory_space<hbm>> -> memref<10240x768xf32, #tpu.memory_space<hbm>>
    tpu.enqueue_indirect_dma source(%dma_start3A_9 : memref<10240x768xf32, #tpu.memory_space<hbm>>) target(%arg8 : memref<128x768xf32, #tpu.memory_space<vmem>>) offsets(%arg7 : memref<128xi32, #tpu.memory_space<vmem>>) semaphore(%arg9 : memref<!tpu.dma_semaphore, #tpu.memory_space<semaphore_mem>>)
    %dma_wait3A_10 = arith.constant 0 : i32
    %dma_wait3A_11 = arith.constant 0 : i32
    %dma_wait3A_12 = tpu.memref_slice %arg2[%dma_wait3A_10, %dma_wait3A_11] : memref<10240x768xf32, #tpu.memory_space<hbm>> -> memref<10240x768xf32, #tpu.memory_space<hbm>>
    tpu.wait_indirect_dma semaphore(%arg9 : memref<!tpu.dma_semaphore, #tpu.memory_space<semaphore_mem>>) src(%dma_wait3A_12 : memref<10240x768xf32, #tpu.memory_space<hbm>>) dst(%arg8 : memref<128x768xf32, #tpu.memory_space<vmem>>)
    "tpu.region"() ({
      %run_scoped3A = tpu.sem_alloc : memref<!tpu.dma_semaphore, #tpu.memory_space<semaphore_mem>>
      %dma_start3A_13 = arith.constant 0 : i32
      %dma_start3A_14 = tpu.memref_slice %arg6[%mul3A_2, %dma_start3A_13] : memref<4096x768xf32, #tpu.memory_space<hbm>> -> memref<128x768xf32, #tpu.memory_space<hbm>>
      %dma_start3A_15 = arith.constant 0 : i32
      %dma_start3A_16 = tpu.memref_slice %arg6[%mul3A_2, %dma_start3A_15] : memref<4096x768xf32, #tpu.memory_space<hbm>> -> memref<128x768xf32, #tpu.memory_space<hbm>>
      tpu.enqueue_dma source(%arg8 : memref<128x768xf32, #tpu.memory_space<vmem>>) target(%dma_start3A_16 : memref<128x768xf32, #tpu.memory_space<hbm>>) target_semaphore(%run_scoped3A : memref<!tpu.dma_semaphore, #tpu.memory_space<semaphore_mem>>)
      %dma_wait3A_17 = arith.constant 0 : i32
      %dma_wait3A_18 = tpu.memref_slice %arg6[%mul3A_2, %dma_wait3A_17] : memref<4096x768xf32, #tpu.memory_space<hbm>> -> memref<128x768xf32, #tpu.memory_space<hbm>>
      %dma_wait3A_19 = arith.constant 0 : i32
      %dma_wait3A_20 = tpu.memref_slice %arg6[%mul3A_2, %dma_wait3A_19] : memref<4096x768xf32, #tpu.memory_space<hbm>> -> memref<128x768xf32, #tpu.memory_space<hbm>>
      tpu.wait_dma2 semaphore(%run_scoped3A : memref<!tpu.dma_semaphore, #tpu.memory_space<semaphore_mem>>) src(%arg8 : memref<128x768xf32, #tpu.memory_space<vmem>>) dst(%dma_wait3A_20 : memref<128x768xf32, #tpu.memory_space<hbm>>)
      tpu.yield
    }) : () -> ()
    return
  }
}

module attributes {stable_mosaic.version = 14 : i64} {
  func.func @_epilogue_body(%arg0: i32, %arg1: memref<512x768xf32, #tpu.memory_space<vmem>>, %arg2: memref<512x768xf32, #tpu.memory_space<vmem>>, %arg3: memref<512x8xf32, #tpu.memory_space<vmem>>, %arg4: memref<512x768xf32, #tpu.memory_space<vmem>>) attributes {dimension_semantics = [#tpu.dimension_semantics<arbitrary>], iteration_bounds = array<i64: 8>, scalar_prefetch = 0 : i64, scratch_operands = 0 : i64, tpu.core_type = #tpu.core_type<tc>, window_params = [{transform_indices = @transform_0, window_bounds = array<i64: 512, 768>}, {transform_indices = @transform_1, window_bounds = array<i64: 512, 768>}, {transform_indices = @transform_2, window_bounds = array<i64: 512, 8>}, {transform_indices = @transform_3, window_bounds = array<i64: 512, 768>}]} {
    %get3A = arith.constant 0 : index
    %get3A_0 = arith.constant 4 : index
    %get3A_1 = vector.load %arg3[%get3A, %get3A_0] : memref<512x8xf32, #tpu.memory_space<vmem>>, vector<512x1xf32>
    %get3A_2 = arith.constant 0 : index
    %get3A_3 = arith.constant 5 : index
    %get3A_4 = vector.load %arg3[%get3A_2, %get3A_3] : memref<512x8xf32, #tpu.memory_space<vmem>>, vector<512x1xf32>
    %get3A_5 = arith.constant 0 : index
    %get3A_6 = arith.constant 0 : index
    %get3A_7 = vector.load %arg1[%get3A_5, %get3A_6] : memref<512x768xf32, #tpu.memory_space<vmem>>, vector<512x768xf32>
    %mul3A = vector.broadcast %get3A_1 : vector<512x1xf32> to vector<512x768xf32>
    %mul3A_8 = arith.mulf %mul3A, %get3A_7 : vector<512x768xf32>
    %get3A_9 = arith.constant 0 : index
    %get3A_10 = arith.constant 0 : index
    %get3A_11 = vector.load %arg2[%get3A_9, %get3A_10] : memref<512x768xf32, #tpu.memory_space<vmem>>, vector<512x768xf32>
    %mul3A_12 = vector.broadcast %get3A_4 : vector<512x1xf32> to vector<512x768xf32>
    %mul3A_13 = arith.mulf %mul3A_12, %get3A_11 : vector<512x768xf32>
    %add3A = arith.addf %mul3A_8, %mul3A_13 : vector<512x768xf32>
    %swap3A = arith.constant 0 : index
    %swap3A_14 = arith.constant 0 : index
    %swap3A_15 = vector.load %arg4[%swap3A, %swap3A_14] : memref<512x768xf32, #tpu.memory_space<vmem>>, vector<512x768xf32>
    tpu.vector_store %arg4[%swap3A, %swap3A_14], %add3A {strides = array<i32>} : memref<512x768xf32, #tpu.memory_space<vmem>>, vector<512x768xf32>,
    return
  }
  func.func @transform_0(%arg0: i32) -> (i32, i32) {
    %c0_i32 = arith.constant 0 : i32
    %c0_i32_0 = arith.constant 0 : i32
    return %arg0, %c0_i32 : i32, i32
  }
  func.func @transform_1(%arg0: i32) -> (i32, i32) {
    %c0_i32 = arith.constant 0 : i32
    %c0_i32_0 = arith.constant 0 : i32
    return %arg0, %c0_i32 : i32, i32
  }
  func.func @transform_2(%arg0: i32) -> (i32, i32) {
    %c0_i32 = arith.constant 0 : i32
    %c0_i32_0 = arith.constant 0 : i32
    return %arg0, %c0_i32 : i32, i32
  }
  func.func @transform_3(%arg0: i32) -> (i32, i32) {
    %c0_i32 = arith.constant 0 : i32
    %c0_i32_0 = arith.constant 0 : i32
    return %arg0, %c0_i32 : i32, i32
  }
}

module attributes {stable_mosaic.version = 14 : i64} {
  func.func @_gate_body(%arg0: i32, %arg1: memref<256x768xf32, #tpu.memory_space<vmem>>, %arg2: memref<768x8xf32, #tpu.memory_space<vmem>>, %arg3: memref<1x8xf32, #tpu.memory_space<vmem>>, %arg4: memref<256x8xf32, #tpu.memory_space<vmem>>, %arg5: memref<1x16xf32, #tpu.memory_space<vmem>>, %arg6: memref<1x64xi32, #tpu.memory_space<vmem>>, %arg7: memref<1x1xf32, #tpu.memory_space<vmem>>, %arg8: memref<1x8xf32, #tpu.memory_space<vmem>>, %arg9: memref<1x8xf32, #tpu.memory_space<vmem>>, %arg10: memref<1x8xf32, #tpu.memory_space<vmem>>) attributes {dimension_semantics = [#tpu.dimension_semantics<arbitrary>], iteration_bounds = array<i64: 16>, scalar_prefetch = 0 : i64, scratch_operands = 3 : i64, tpu.core_type = #tpu.core_type<tc>, window_params = [{transform_indices = @transform_0, window_bounds = array<i64: 256, 768>}, {pipeline_mode = #tpu.pipeline_mode<synchronous>, transform_indices = @transform_1, window_bounds = array<i64: 768, 8>}, {pipeline_mode = #tpu.pipeline_mode<synchronous>, transform_indices = @transform_2, window_bounds = array<i64: 1, 8>}, {transform_indices = @transform_3, window_bounds = array<i64: 256, 8>}, {pipeline_mode = #tpu.pipeline_mode<synchronous>, transform_indices = @transform_4, window_bounds = array<i64: 1, 16>}, {pipeline_mode = #tpu.pipeline_mode<synchronous>, transform_indices = @transform_5, window_bounds = array<i64: 1, 64>}, {pipeline_mode = #tpu.pipeline_mode<synchronous>, transform_indices = @transform_6, window_bounds = array<i64: 1, 1>}]} {
    %get3A = arith.constant 0 : index
    %get3A_0 = arith.constant 0 : index
    %get3A_1 = vector.load %arg1[%get3A, %get3A_0] : memref<256x768xf32, #tpu.memory_space<vmem>>, vector<256x768xf32>
    %get3A_2 = arith.constant 0 : index
    %get3A_3 = arith.constant 0 : index
    %get3A_4 = vector.load %arg2[%get3A_2, %get3A_3] : memref<768x8xf32, #tpu.memory_space<vmem>>, vector<768x8xf32>
    %get3A_5 = arith.constant 0 : index
    %get3A_6 = arith.constant 0 : index
    %get3A_7 = vector.load %arg3[%get3A_5, %get3A_6] : memref<1x8xf32, #tpu.memory_space<vmem>>, vector<1x8xf32>
    %dot_general3A = arith.constant dense<0.000000e+00> : vector<256x8xf32>
    %dot_general3A_8 = tpu.matmul %get3A_1, %get3A_4, %dot_general3A {dimension_numbers = #tpu.dot_dimension_numbers<[1], [0], [0], [1], [0, 0, 1, 1], [], []>, transpose_lhs_hint = false} : vector<256x768xf32>, vector<768x8xf32>, vector<256x8xf32> -> vector<256x8xf32>
    %add3A = vector.broadcast %get3A_7 : vector<1x8xf32> to vector<256x8xf32>
    %add3A_9 = arith.addf %dot_general3A_8, %add3A : vector<256x8xf32>
    %iota3A = tpu.iota {dimensions = array<i32: 1>} : vector<256x8xi32>
    %reduce_max3A = arith.constant dense<0xFF800000> : vector<256xf32>
    %reduce_max3A_10 = vector.multi_reduction <maximumf>, %add3A_9, %reduce_max3A [1] : vector<256x8xf32> to vector<256xf32>
    %broadcast_in_dim3A = vector.shape_cast %reduce_max3A_10 : vector<256xf32> to vector<256x1xf32>
    %sub3A = vector.broadcast %broadcast_in_dim3A : vector<256x1xf32> to vector<256x8xf32>
    %sub3A_11 = arith.subf %add3A_9, %sub3A : vector<256x8xf32>
    %exp3A = math.exp %sub3A_11 : vector<256x8xf32>
    %reduce_sum3A = arith.constant dense<0.000000e+00> : vector<256xf32>
    %reduce_sum3A_12 = vector.multi_reduction <add>, %exp3A, %reduce_sum3A [1] : vector<256x8xf32> to vector<256xf32>
    %broadcast_in_dim3A_13 = vector.shape_cast %reduce_sum3A_12 : vector<256xf32> to vector<256x1xf32>
    %div3A = vector.broadcast %broadcast_in_dim3A_13 : vector<256x1xf32> to vector<256x8xf32>
    %div3A_14 = arith.divf %exp3A, %div3A : vector<256x8xf32>
    %reduce_max3A_15 = arith.constant dense<0xFF800000> : vector<256xf32>
    %reduce_max3A_16 = vector.multi_reduction <maximumf>, %div3A_14, %reduce_max3A_15 [1] : vector<256x8xf32> to vector<256xf32>
    %broadcast_in_dim3A_17 = vector.shape_cast %reduce_max3A_16 : vector<256xf32> to vector<256x1xf32>
    %eq3A = vector.broadcast %broadcast_in_dim3A_17 : vector<256x1xf32> to vector<256x8xf32>
    %eq3A_18 = arith.cmpf oeq, %div3A_14, %eq3A : vector<256x8xf32>
    %jit3A = arith.constant 8 : i32
    %broadcast_in_dim3A_19 = vector.broadcast %jit3A : i32 to vector<256x8xi32>
    %select_n3A = arith.select %eq3A_18, %iota3A, %broadcast_in_dim3A_19 : vector<256x8xi1>, vector<256x8xi32>
    %reduce_min3A = arith.constant dense<2147483647> : vector<256xi32>
    %reduce_min3A_20 = vector.multi_reduction <minsi>, %select_n3A, %reduce_min3A [1] : vector<256x8xi32> to vector<256xi32>
    %broadcast_in_dim3A_21 = vector.shape_cast %reduce_min3A_20 : vector<256xi32> to vector<256x1xi32>
    %eq3A_22 = vector.broadcast %broadcast_in_dim3A_21 : vector<256x1xi32> to vector<256x8xi32>
    %eq3A_23 = arith.cmpi eq, %iota3A, %eq3A_22 : vector<256x8xi32>
    %jit3A_24 = arith.constant 0xFF800000 : f32
    %broadcast_in_dim3A_25 = vector.broadcast %jit3A_24 : f32 to vector<256x8xf32>
    %select_n3A_26 = arith.select %eq3A_23, %broadcast_in_dim3A_25, %div3A_14 : vector<256x8xi1>, vector<256x8xf32>
    %reduce_max3A_27 = arith.constant dense<0xFF800000> : vector<256xf32>
    %reduce_max3A_28 = vector.multi_reduction <maximumf>, %select_n3A_26, %reduce_max3A_27 [1] : vector<256x8xf32> to vector<256xf32>
    %broadcast_in_dim3A_29 = vector.shape_cast %reduce_max3A_28 : vector<256xf32> to vector<256x1xf32>
    %eq3A_30 = vector.broadcast %broadcast_in_dim3A_29 : vector<256x1xf32> to vector<256x8xf32>
    %eq3A_31 = arith.cmpf oeq, %select_n3A_26, %eq3A_30 : vector<256x8xf32>
    %jit3A_32 = arith.constant 8 : i32
    %broadcast_in_dim3A_33 = vector.broadcast %jit3A_32 : i32 to vector<256x8xi32>
    %select_n3A_34 = arith.select %eq3A_31, %iota3A, %broadcast_in_dim3A_33 : vector<256x8xi1>, vector<256x8xi32>
    %reduce_min3A_35 = arith.constant dense<2147483647> : vector<256xi32>
    %reduce_min3A_36 = vector.multi_reduction <minsi>, %select_n3A_34, %reduce_min3A_35 [1] : vector<256x8xi32> to vector<256xi32>
    %broadcast_in_dim3A_37 = vector.shape_cast %reduce_min3A_36 : vector<256xi32> to vector<256x1xi32>
    %sub3A_38 = arith.subf %broadcast_in_dim3A_29, %broadcast_in_dim3A_17 : vector<256x1xf32>
    %exp3A_39 = math.exp %sub3A_38 : vector<256x1xf32>
    %add3A_40 = arith.constant 1.000000e+00 : f32
    %add3A_41 = vector.broadcast %add3A_40 : f32 to vector<256x1xf32>
    %add3A_42 = arith.addf %add3A_41, %exp3A_39 : vector<256x1xf32>
    %div3A_43 = arith.constant 1.000000e+00 : f32
    %div3A_44 = vector.broadcast %div3A_43 : f32 to vector<256x1xf32>
    %div3A_45 = arith.divf %div3A_44, %add3A_42 : vector<256x1xf32>
    %add3A_46 = arith.constant 1.000000e+00 : f32
    %add3A_47 = vector.broadcast %add3A_46 : f32 to vector<256x1xf32>
    %add3A_48 = arith.addf %add3A_47, %exp3A_39 : vector<256x1xf32>
    %div3A_49 = arith.divf %exp3A_39, %add3A_48 : vector<256x1xf32>
    %eq3A_50 = arith.constant 0 : i32
    %eq3A_51 = arith.cmpi eq, %arg0, %eq3A_50 : i32
    %convert_element_type3A = arith.extui %eq3A_51 : i1 to i32
    %cond3A = arith.constant 0 : i32
    %cond3A_52 = arith.cmpi ne, %convert_element_type3A, %cond3A : i32
    scf.if %cond3A_52 {
      %broadcast_in_dim3A_132 = arith.constant 0.000000e+00 : f32
      %broadcast_in_dim3A_133 = vector.broadcast %broadcast_in_dim3A_132 : f32 to vector<1x8xf32>
      %swap3A_134 = arith.constant 0 : index
      %swap3A_135 = arith.constant 0 : index
      %swap3A_136 = vector.load %arg8[%swap3A_134, %swap3A_135] : memref<1x8xf32, #tpu.memory_space<vmem>>, vector<1x8xf32>
      tpu.vector_store %arg8[%swap3A_134, %swap3A_135], %broadcast_in_dim3A_133 {strides = array<i32>} : memref<1x8xf32, #tpu.memory_space<vmem>>, vector<1x8xf32>,
      %broadcast_in_dim3A_137 = arith.constant 0.000000e+00 : f32
      %broadcast_in_dim3A_138 = vector.broadcast %broadcast_in_dim3A_137 : f32 to vector<1x8xf32>
      %swap3A_139 = arith.constant 0 : index
      %swap3A_140 = arith.constant 0 : index
      %swap3A_141 = vector.load %arg9[%swap3A_139, %swap3A_140] : memref<1x8xf32, #tpu.memory_space<vmem>>, vector<1x8xf32>
      tpu.vector_store %arg9[%swap3A_139, %swap3A_140], %broadcast_in_dim3A_138 {strides = array<i32>} : memref<1x8xf32, #tpu.memory_space<vmem>>, vector<1x8xf32>,
      %broadcast_in_dim3A_142 = arith.constant 0.000000e+00 : f32
      %broadcast_in_dim3A_143 = vector.broadcast %broadcast_in_dim3A_142 : f32 to vector<1x8xf32>
      %swap3A_144 = arith.constant 0 : index
      %swap3A_145 = arith.constant 0 : index
      %swap3A_146 = vector.load %arg10[%swap3A_144, %swap3A_145] : memref<1x8xf32, #tpu.memory_space<vmem>>, vector<1x8xf32>
      tpu.vector_store %arg10[%swap3A_144, %swap3A_145], %broadcast_in_dim3A_143 {strides = array<i32>} : memref<1x8xf32, #tpu.memory_space<vmem>>, vector<1x8xf32>,
    } else {
    }
    %iota3A_53 = tpu.iota {dimensions = array<i32: 1>} : vector<256x8xi32>
    %eq3A_54 = vector.broadcast %broadcast_in_dim3A_21 : vector<256x1xi32> to vector<256x8xi32>
    %eq3A_55 = arith.cmpi eq, %iota3A_53, %eq3A_54 : vector<256x8xi32>
    %convert_element_type3A_56 = arith.extui %eq3A_55 : vector<256x8xi1> to vector<256x8xi32>
    %convert_element_type3A_57 = arith.sitofp %convert_element_type3A_56 : vector<256x8xi32> to vector<256x8xf32>
    %eq3A_58 = vector.broadcast %broadcast_in_dim3A_37 : vector<256x1xi32> to vector<256x8xi32>
    %eq3A_59 = arith.cmpi eq, %iota3A_53, %eq3A_58 : vector<256x8xi32>
    %convert_element_type3A_60 = arith.extui %eq3A_59 : vector<256x8xi1> to vector<256x8xi32>
    %convert_element_type3A_61 = arith.sitofp %convert_element_type3A_60 : vector<256x8xi32> to vector<256x8xf32>
    %iota3A_62 = tpu.iota {dimensions = array<i32: 0>} : vector<256x256xi32>
    %iota3A_63 = tpu.iota {dimensions = array<i32: 1>} : vector<256x256xi32>
    %lt3A = arith.cmpi slt, %iota3A_63, %iota3A_62 : vector<256x256xi32>
    %convert_element_type3A_64 = arith.extui %lt3A : vector<256x256xi1> to vector<256x256xi32>
    %convert_element_type3A_65 = arith.sitofp %convert_element_type3A_64 : vector<256x256xi32> to vector<256x256xf32>
    %dot_general3A_66 = arith.constant dense<0.000000e+00> : vector<256x8xf32>
    %dot_general3A_67 = tpu.matmul %convert_element_type3A_65, %convert_element_type3A_57, %dot_general3A_66 {dimension_numbers = #tpu.dot_dimension_numbers<[1], [0], [0], [1], [0, 0, 1, 1], [], []>, transpose_lhs_hint = false} : vector<256x256xf32>, vector<256x8xf32>, vector<256x8xf32> -> vector<256x8xf32>
    %dot_general3A_68 = arith.constant dense<0.000000e+00> : vector<256x8xf32>
    %dot_general3A_69 = tpu.matmul %convert_element_type3A_65, %convert_element_type3A_61, %dot_general3A_68 {dimension_numbers = #tpu.dot_dimension_numbers<[1], [0], [0], [1], [0, 0, 1, 1], [], []>, transpose_lhs_hint = false} : vector<256x256xf32>, vector<256x8xf32>, vector<256x8xf32> -> vector<256x8xf32>
    %reduce_sum3A_70 = arith.constant dense<0.000000e+00> : vector<8xf32>
    %reduce_sum3A_71 = vector.multi_reduction <add>, %convert_element_type3A_57, %reduce_sum3A_70 [0] : vector<256x8xf32> to vector<8xf32>
    %broadcast_in_dim3A_72 = vector.shape_cast %reduce_sum3A_71 : vector<8xf32> to vector<1x8xf32>
    %reduce_sum3A_73 = arith.constant dense<0.000000e+00> : vector<8xf32>
    %reduce_sum3A_74 = vector.multi_reduction <add>, %convert_element_type3A_61, %reduce_sum3A_73 [0] : vector<256x8xf32> to vector<8xf32>
    %broadcast_in_dim3A_75 = vector.shape_cast %reduce_sum3A_74 : vector<8xf32> to vector<1x8xf32>
    %get3A_76 = arith.constant 0 : index
    %get3A_77 = arith.constant 0 : index
    %get3A_78 = vector.load %arg8[%get3A_76, %get3A_77] : memref<1x8xf32, #tpu.memory_space<vmem>>, vector<1x8xf32>
    %add3A_79 = vector.broadcast %get3A_78 : vector<1x8xf32> to vector<256x8xf32>
    %add3A_80 = arith.addf %dot_general3A_67, %add3A_79 : vector<256x8xf32>
    %mul3A = arith.mulf %add3A_80, %convert_element_type3A_57 : vector<256x8xf32>
    %reduce_sum3A_81 = arith.constant dense<0.000000e+00> : vector<256xf32>
    %reduce_sum3A_82 = vector.multi_reduction <add>, %mul3A, %reduce_sum3A_81 [1] : vector<256x8xf32> to vector<256xf32>
    %broadcast_in_dim3A_83 = vector.shape_cast %reduce_sum3A_82 : vector<256xf32> to vector<256x1xf32>
    %add3A_84 = vector.broadcast %get3A_78 : vector<1x8xf32> to vector<256x8xf32>
    %add3A_85 = arith.addf %dot_general3A_69, %add3A_84 : vector<256x8xf32>
    %add3A_86 = vector.broadcast %broadcast_in_dim3A_72 : vector<1x8xf32> to vector<256x8xf32>
    %add3A_87 = arith.addf %add3A_85, %add3A_86 : vector<256x8xf32>
    %mul3A_88 = arith.mulf %add3A_87, %convert_element_type3A_61 : vector<256x8xf32>
    %reduce_sum3A_89 = arith.constant dense<0.000000e+00> : vector<256xf32>
    %reduce_sum3A_90 = vector.multi_reduction <add>, %mul3A_88, %reduce_sum3A_89 [1] : vector<256x8xf32> to vector<256xf32>
    %broadcast_in_dim3A_91 = vector.shape_cast %reduce_sum3A_90 : vector<256xf32> to vector<256x1xf32>
    %add3A_92 = arith.addf %get3A_78, %broadcast_in_dim3A_72 : vector<1x8xf32>
    %add3A_93 = arith.addf %add3A_92, %broadcast_in_dim3A_75 : vector<1x8xf32>
    %swap3A = arith.constant 0 : index
    %swap3A_94 = arith.constant 0 : index
    %swap3A_95 = vector.load %arg8[%swap3A, %swap3A_94] : memref<1x8xf32, #tpu.memory_space<vmem>>, vector<1x8xf32>
    tpu.vector_store %arg8[%swap3A, %swap3A_94], %add3A_93 {strides = array<i32>} : memref<1x8xf32, #tpu.memory_space<vmem>>, vector<1x8xf32>,
    %convert_element_type3A_96 = arith.sitofp %broadcast_in_dim3A_21 : vector<256x1xi32> to vector<256x1xf32>
    %convert_element_type3A_97 = arith.sitofp %broadcast_in_dim3A_37 : vector<256x1xi32> to vector<256x1xf32>
    %broadcast_in_dim3A_98 = arith.constant 0.000000e+00 : f32
    %broadcast_in_dim3A_99 = vector.broadcast %broadcast_in_dim3A_98 : f32 to vector<256x2xf32>
    %concatenate3A = tpu.concatenate %convert_element_type3A_96, %convert_element_type3A_97, %broadcast_in_dim3A_83, %broadcast_in_dim3A_91, %div3A_45, %div3A_49, %broadcast_in_dim3A_99 in 1 : vector<256x1xf32>, vector<256x1xf32>, vector<256x1xf32>, vector<256x1xf32>, vector<256x1xf32>, vector<256x1xf32>, vector<256x2xf32> -> vector<256x8xf32>
    %swap3A_100 = arith.constant 0 : index
    %swap3A_101 = arith.constant 0 : index
    %swap3A_102 = vector.load %arg4[%swap3A_100, %swap3A_101] : memref<256x8xf32, #tpu.memory_space<vmem>>, vector<256x8xf32>
    tpu.vector_store %arg4[%swap3A_100, %swap3A_101], %concatenate3A {strides = array<i32>} : memref<256x8xf32, #tpu.memory_space<vmem>>, vector<256x8xf32>,
    %get3A_103 = arith.constant 0 : index
    %get3A_104 = arith.constant 0 : index
    %get3A_105 = vector.load %arg9[%get3A_103, %get3A_104] : memref<1x8xf32, #tpu.memory_space<vmem>>, vector<1x8xf32>
    %reduce_sum3A_106 = arith.constant dense<0.000000e+00> : vector<8xf32>
    %reduce_sum3A_107 = vector.multi_reduction <add>, %div3A_14, %reduce_sum3A_106 [0] : vector<256x8xf32> to vector<8xf32>
    %broadcast_in_dim3A_108 = vector.shape_cast %reduce_sum3A_107 : vector<8xf32> to vector<1x8xf32>
    %add3A_109 = arith.addf %get3A_105, %broadcast_in_dim3A_108 : vector<1x8xf32>
    %swap3A_110 = arith.constant 0 : index
    %swap3A_111 = arith.constant 0 : index
    %swap3A_112 = vector.load %arg9[%swap3A_110, %swap3A_111] : memref<1x8xf32, #tpu.memory_space<vmem>>, vector<1x8xf32>
    tpu.vector_store %arg9[%swap3A_110, %swap3A_111], %add3A_109 {strides = array<i32>} : memref<1x8xf32, #tpu.memory_space<vmem>>, vector<1x8xf32>,
    %get3A_113 = arith.constant 0 : index
    %get3A_114 = arith.constant 0 : index
    %get3A_115 = vector.load %arg10[%get3A_113, %get3A_114] : memref<1x8xf32, #tpu.memory_space<vmem>>, vector<1x8xf32>
    %gt3A = arith.constant 0.000000e+00 : f32
    %gt3A_116 = vector.broadcast %gt3A : f32 to vector<256x8xf32>
    %gt3A_117 = arith.cmpf ogt, %div3A_14, %gt3A_116 : vector<256x8xf32>
    %convert_element_type3A_118 = arith.extui %gt3A_117 : vector<256x8xi1> to vector<256x8xi32>
    %convert_element_type3A_119 = arith.sitofp %convert_element_type3A_118 : vector<256x8xi32> to vector<256x8xf32>
    %reduce_sum3A_120 = arith.constant dense<0.000000e+00> : vector<8xf32>
    %reduce_sum3A_121 = vector.multi_reduction <add>, %convert_element_type3A_119, %reduce_sum3A_120 [0] : vector<256x8xf32> to vector<8xf32>
    %broadcast_in_dim3A_122 = vector.shape_cast %reduce_sum3A_121 : vector<8xf32> to vector<1x8xf32>
    %add3A_123 = arith.addf %get3A_115, %broadcast_in_dim3A_122 : vector<1x8xf32>
    %swap3A_124 = arith.constant 0 : index
    %swap3A_125 = arith.constant 0 : index
    %swap3A_126 = vector.load %arg10[%swap3A_124, %swap3A_125] : memref<1x8xf32, #tpu.memory_space<vmem>>, vector<1x8xf32>
    tpu.vector_store %arg10[%swap3A_124, %swap3A_125], %add3A_123 {strides = array<i32>} : memref<1x8xf32, #tpu.memory_space<vmem>>, vector<1x8xf32>,
    %eq3A_127 = arith.constant 15 : i32
    %eq3A_128 = arith.cmpi eq, %arg0, %eq3A_127 : i32
    %convert_element_type3A_129 = arith.extui %eq3A_128 : i1 to i32
    %cond3A_130 = arith.constant 0 : i32
    %cond3A_131 = arith.cmpi ne, %convert_element_type3A_129, %cond3A_130 : i32
    scf.if %cond3A_131 {
      %get3A_132 = arith.constant 0 : index
      %get3A_133 = arith.constant 0 : index
      %get3A_134 = vector.load %arg8[%get3A_132, %get3A_133] : memref<1x8xf32, #tpu.memory_space<vmem>>, vector<1x8xf32>
      %div3A_135 = arith.constant 2.560000e+02 : f32
      %div3A_136 = vector.broadcast %div3A_135 : f32 to vector<1x8xf32>
      %div3A_137 = arith.divf %get3A_134, %div3A_136 : vector<1x8xf32>
      %ceil3A = math.ceil %div3A_137 : vector<1x8xf32>
      %mul3A_138 = arith.constant 2.560000e+02 : f32
      %mul3A_139 = vector.broadcast %mul3A_138 : f32 to vector<1x8xf32>
      %mul3A_140 = arith.mulf %ceil3A, %mul3A_139 : vector<1x8xf32>
      %iota3A_141 = tpu.iota {dimensions = array<i32: 0>} : vector<8x8xi32>
      %iota3A_142 = tpu.iota {dimensions = array<i32: 1>} : vector<8x8xi32>
      %le3A = arith.cmpi sle, %iota3A_141, %iota3A_142 : vector<8x8xi32>
      %convert_element_type3A_143 = arith.extui %le3A : vector<8x8xi1> to vector<8x8xi32>
      %convert_element_type3A_144 = arith.sitofp %convert_element_type3A_143 : vector<8x8xi32> to vector<8x8xf32>
      %dot_general3A_145 = arith.constant dense<0.000000e+00> : vector<1x8xf32>
      %dot_general3A_146 = tpu.matmul %mul3A_140, %convert_element_type3A_144, %dot_general3A_145 {dimension_numbers = #tpu.dot_dimension_numbers<[1], [0], [0], [1], [0, 0, 1, 1], [], []>, transpose_lhs_hint = false} : vector<1x8xf32>, vector<8x8xf32>, vector<1x8xf32> -> vector<1x8xf32>
      %sub3A_147 = arith.subf %dot_general3A_146, %mul3A_140 : vector<1x8xf32>
      %concatenate3A_148 = tpu.concatenate %get3A_134, %sub3A_147 in 1 : vector<1x8xf32>, vector<1x8xf32> -> vector<1x16xf32>
      %swap3A_149 = arith.constant 0 : index
      %swap3A_150 = arith.constant 0 : index
      %swap3A_151 = vector.load %arg5[%swap3A_149, %swap3A_150] : memref<1x16xf32, #tpu.memory_space<vmem>>, vector<1x16xf32>
      tpu.vector_store %arg5[%swap3A_149, %swap3A_150], %concatenate3A_148 {strides = array<i32>} : memref<1x16xf32, #tpu.memory_space<vmem>>, vector<1x16xf32>,
      %iota3A_152 = tpu.iota {dimensions = array<i32: 1>} : vector<1x64xi32>
      %convert_element_type3A_153 = arith.sitofp %iota3A_152 : vector<1x64xi32> to vector<1x64xf32>
      %mul3A_154 = arith.constant 2.560000e+02 : f32
      %mul3A_155 = vector.broadcast %mul3A_154 : f32 to vector<1x64xf32>
      %mul3A_156 = arith.mulf %convert_element_type3A_153, %mul3A_155 : vector<1x64xf32>
      %iota3A_157 = tpu.iota {dimensions = array<i32: 1>} : vector<1x8xi32>
      %broadcast_in_dim3A_158 = arith.constant 0 : i32
      %broadcast_in_dim3A_159 = vector.broadcast %broadcast_in_dim3A_158 : i32 to vector<1x64xi32>
      %eq3A_160 = arith.constant 0 : i32
      %eq3A_161 = vector.broadcast %eq3A_160 : i32 to vector<1x8xi32>
      %eq3A_162 = arith.cmpi eq, %iota3A_157, %eq3A_161 : vector<1x8xi32>
      %convert_element_type3A_163 = arith.extui %eq3A_162 : vector<1x8xi1> to vector<1x8xi32>
      %convert_element_type3A_164 = arith.sitofp %convert_element_type3A_163 : vector<1x8xi32> to vector<1x8xf32>
      %mul3A_165 = arith.mulf %dot_general3A_146, %convert_element_type3A_164 : vector<1x8xf32>
      %reduce_sum3A_166 = arith.constant dense<0.000000e+00> : vector<1xf32>
      %reduce_sum3A_167 = vector.multi_reduction <add>, %mul3A_165, %reduce_sum3A_166 [1] : vector<1x8xf32> to vector<1xf32>
      %broadcast_in_dim3A_168 = vector.shape_cast %reduce_sum3A_167 : vector<1xf32> to vector<1x1xf32>
      %le3A_169 = vector.broadcast %broadcast_in_dim3A_168 : vector<1x1xf32> to vector<1x64xf32>
      %le3A_170 = arith.cmpf ole, %le3A_169, %mul3A_156 : vector<1x64xf32>
      %convert_element_type3A_171 = arith.extui %le3A_170 : vector<1x64xi1> to vector<1x64xi32>
      %add3A_172 = arith.addi %broadcast_in_dim3A_159, %convert_element_type3A_171 : vector<1x64xi32>
      %eq3A_173 = arith.constant 1 : i32
      %eq3A_174 = vector.broadcast %eq3A_173 : i32 to vector<1x8xi32>
      %eq3A_175 = arith.cmpi eq, %iota3A_157, %eq3A_174 : vector<1x8xi32>
      %convert_element_type3A_176 = arith.extui %eq3A_175 : vector<1x8xi1> to vector<1x8xi32>
      %convert_element_type3A_177 = arith.sitofp %convert_element_type3A_176 : vector<1x8xi32> to vector<1x8xf32>
      %mul3A_178 = arith.mulf %dot_general3A_146, %convert_element_type3A_177 : vector<1x8xf32>
      %reduce_sum3A_179 = arith.constant dense<0.000000e+00> : vector<1xf32>
      %reduce_sum3A_180 = vector.multi_reduction <add>, %mul3A_178, %reduce_sum3A_179 [1] : vector<1x8xf32> to vector<1xf32>
      %broadcast_in_dim3A_181 = vector.shape_cast %reduce_sum3A_180 : vector<1xf32> to vector<1x1xf32>
      %le3A_182 = vector.broadcast %broadcast_in_dim3A_181 : vector<1x1xf32> to vector<1x64xf32>
      %le3A_183 = arith.cmpf ole, %le3A_182, %mul3A_156 : vector<1x64xf32>
      %convert_element_type3A_184 = arith.extui %le3A_183 : vector<1x64xi1> to vector<1x64xi32>
      %add3A_185 = arith.addi %add3A_172, %convert_element_type3A_184 : vector<1x64xi32>
      %eq3A_186 = arith.constant 2 : i32
      %eq3A_187 = vector.broadcast %eq3A_186 : i32 to vector<1x8xi32>
      %eq3A_188 = arith.cmpi eq, %iota3A_157, %eq3A_187 : vector<1x8xi32>
      %convert_element_type3A_189 = arith.extui %eq3A_188 : vector<1x8xi1> to vector<1x8xi32>
      %convert_element_type3A_190 = arith.sitofp %convert_element_type3A_189 : vector<1x8xi32> to vector<1x8xf32>
      %mul3A_191 = arith.mulf %dot_general3A_146, %convert_element_type3A_190 : vector<1x8xf32>
      %reduce_sum3A_192 = arith.constant dense<0.000000e+00> : vector<1xf32>
      %reduce_sum3A_193 = vector.multi_reduction <add>, %mul3A_191, %reduce_sum3A_192 [1] : vector<1x8xf32> to vector<1xf32>
      %broadcast_in_dim3A_194 = vector.shape_cast %reduce_sum3A_193 : vector<1xf32> to vector<1x1xf32>
      %le3A_195 = vector.broadcast %broadcast_in_dim3A_194 : vector<1x1xf32> to vector<1x64xf32>
      %le3A_196 = arith.cmpf ole, %le3A_195, %mul3A_156 : vector<1x64xf32>
      %convert_element_type3A_197 = arith.extui %le3A_196 : vector<1x64xi1> to vector<1x64xi32>
      %add3A_198 = arith.addi %add3A_185, %convert_element_type3A_197 : vector<1x64xi32>
      %eq3A_199 = arith.constant 3 : i32
      %eq3A_200 = vector.broadcast %eq3A_199 : i32 to vector<1x8xi32>
      %eq3A_201 = arith.cmpi eq, %iota3A_157, %eq3A_200 : vector<1x8xi32>
      %convert_element_type3A_202 = arith.extui %eq3A_201 : vector<1x8xi1> to vector<1x8xi32>
      %convert_element_type3A_203 = arith.sitofp %convert_element_type3A_202 : vector<1x8xi32> to vector<1x8xf32>
      %mul3A_204 = arith.mulf %dot_general3A_146, %convert_element_type3A_203 : vector<1x8xf32>
      %reduce_sum3A_205 = arith.constant dense<0.000000e+00> : vector<1xf32>
      %reduce_sum3A_206 = vector.multi_reduction <add>, %mul3A_204, %reduce_sum3A_205 [1] : vector<1x8xf32> to vector<1xf32>
      %broadcast_in_dim3A_207 = vector.shape_cast %reduce_sum3A_206 : vector<1xf32> to vector<1x1xf32>
      %le3A_208 = vector.broadcast %broadcast_in_dim3A_207 : vector<1x1xf32> to vector<1x64xf32>
      %le3A_209 = arith.cmpf ole, %le3A_208, %mul3A_156 : vector<1x64xf32>
      %convert_element_type3A_210 = arith.extui %le3A_209 : vector<1x64xi1> to vector<1x64xi32>
      %add3A_211 = arith.addi %add3A_198, %convert_element_type3A_210 : vector<1x64xi32>
      %eq3A_212 = arith.constant 4 : i32
      %eq3A_213 = vector.broadcast %eq3A_212 : i32 to vector<1x8xi32>
      %eq3A_214 = arith.cmpi eq, %iota3A_157, %eq3A_213 : vector<1x8xi32>
      %convert_element_type3A_215 = arith.extui %eq3A_214 : vector<1x8xi1> to vector<1x8xi32>
      %convert_element_type3A_216 = arith.sitofp %convert_element_type3A_215 : vector<1x8xi32> to vector<1x8xf32>
      %mul3A_217 = arith.mulf %dot_general3A_146, %convert_element_type3A_216 : vector<1x8xf32>
      %reduce_sum3A_218 = arith.constant dense<0.000000e+00> : vector<1xf32>
      %reduce_sum3A_219 = vector.multi_reduction <add>, %mul3A_217, %reduce_sum3A_218 [1] : vector<1x8xf32> to vector<1xf32>
      %broadcast_in_dim3A_220 = vector.shape_cast %reduce_sum3A_219 : vector<1xf32> to vector<1x1xf32>
      %le3A_221 = vector.broadcast %broadcast_in_dim3A_220 : vector<1x1xf32> to vector<1x64xf32>
      %le3A_222 = arith.cmpf ole, %le3A_221, %mul3A_156 : vector<1x64xf32>
      %convert_element_type3A_223 = arith.extui %le3A_222 : vector<1x64xi1> to vector<1x64xi32>
      %add3A_224 = arith.addi %add3A_211, %convert_element_type3A_223 : vector<1x64xi32>
      %eq3A_225 = arith.constant 5 : i32
      %eq3A_226 = vector.broadcast %eq3A_225 : i32 to vector<1x8xi32>
      %eq3A_227 = arith.cmpi eq, %iota3A_157, %eq3A_226 : vector<1x8xi32>
      %convert_element_type3A_228 = arith.extui %eq3A_227 : vector<1x8xi1> to vector<1x8xi32>
      %convert_element_type3A_229 = arith.sitofp %convert_element_type3A_228 : vector<1x8xi32> to vector<1x8xf32>
      %mul3A_230 = arith.mulf %dot_general3A_146, %convert_element_type3A_229 : vector<1x8xf32>
      %reduce_sum3A_231 = arith.constant dense<0.000000e+00> : vector<1xf32>
      %reduce_sum3A_232 = vector.multi_reduction <add>, %mul3A_230, %reduce_sum3A_231 [1] : vector<1x8xf32> to vector<1xf32>
      %broadcast_in_dim3A_233 = vector.shape_cast %reduce_sum3A_232 : vector<1xf32> to vector<1x1xf32>
      %le3A_234 = vector.broadcast %broadcast_in_dim3A_233 : vector<1x1xf32> to vector<1x64xf32>
      %le3A_235 = arith.cmpf ole, %le3A_234, %mul3A_156 : vector<1x64xf32>
      %convert_element_type3A_236 = arith.extui %le3A_235 : vector<1x64xi1> to vector<1x64xi32>
      %add3A_237 = arith.addi %add3A_224, %convert_element_type3A_236 : vector<1x64xi32>
      %eq3A_238 = arith.constant 6 : i32
      %eq3A_239 = vector.broadcast %eq3A_238 : i32 to vector<1x8xi32>
      %eq3A_240 = arith.cmpi eq, %iota3A_157, %eq3A_239 : vector<1x8xi32>
      %convert_element_type3A_241 = arith.extui %eq3A_240 : vector<1x8xi1> to vector<1x8xi32>
      %convert_element_type3A_242 = arith.sitofp %convert_element_type3A_241 : vector<1x8xi32> to vector<1x8xf32>
      %mul3A_243 = arith.mulf %dot_general3A_146, %convert_element_type3A_242 : vector<1x8xf32>
      %reduce_sum3A_244 = arith.constant dense<0.000000e+00> : vector<1xf32>
      %reduce_sum3A_245 = vector.multi_reduction <add>, %mul3A_243, %reduce_sum3A_244 [1] : vector<1x8xf32> to vector<1xf32>
      %broadcast_in_dim3A_246 = vector.shape_cast %reduce_sum3A_245 : vector<1xf32> to vector<1x1xf32>
      %le3A_247 = vector.broadcast %broadcast_in_dim3A_246 : vector<1x1xf32> to vector<1x64xf32>
      %le3A_248 = arith.cmpf ole, %le3A_247, %mul3A_156 : vector<1x64xf32>
      %convert_element_type3A_249 = arith.extui %le3A_248 : vector<1x64xi1> to vector<1x64xi32>
      %add3A_250 = arith.addi %add3A_237, %convert_element_type3A_249 : vector<1x64xi32>
      %eq3A_251 = arith.constant 7 : i32
      %eq3A_252 = vector.broadcast %eq3A_251 : i32 to vector<1x8xi32>
      %eq3A_253 = arith.cmpi eq, %iota3A_157, %eq3A_252 : vector<1x8xi32>
      %convert_element_type3A_254 = arith.extui %eq3A_253 : vector<1x8xi1> to vector<1x8xi32>
      %convert_element_type3A_255 = arith.sitofp %convert_element_type3A_254 : vector<1x8xi32> to vector<1x8xf32>
      %mul3A_256 = arith.mulf %dot_general3A_146, %convert_element_type3A_255 : vector<1x8xf32>
      %reduce_sum3A_257 = arith.constant dense<0.000000e+00> : vector<1xf32>
      %reduce_sum3A_258 = vector.multi_reduction <add>, %mul3A_256, %reduce_sum3A_257 [1] : vector<1x8xf32> to vector<1xf32>
      %broadcast_in_dim3A_259 = vector.shape_cast %reduce_sum3A_258 : vector<1xf32> to vector<1x1xf32>
      %le3A_260 = vector.broadcast %broadcast_in_dim3A_259 : vector<1x1xf32> to vector<1x64xf32>
      %le3A_261 = arith.cmpf ole, %le3A_260, %mul3A_156 : vector<1x64xf32>
      %convert_element_type3A_262 = arith.extui %le3A_261 : vector<1x64xi1> to vector<1x64xi32>
      %add3A_263 = arith.addi %add3A_250, %convert_element_type3A_262 : vector<1x64xi32>
      %min3A = arith.constant 7 : i32
      %min3A_264 = vector.broadcast %min3A : i32 to vector<1x64xi32>
      %min3A_265 = arith.minsi %add3A_263, %min3A_264 : vector<1x64xi32>
      %swap3A_266 = arith.constant 0 : index
      %swap3A_267 = arith.constant 0 : index
      %swap3A_268 = vector.load %arg6[%swap3A_266, %swap3A_267] : memref<1x64xi32, #tpu.memory_space<vmem>>, vector<1x64xi32>
      tpu.vector_store %arg6[%swap3A_266, %swap3A_267], %min3A_265 {strides = array<i32>} : memref<1x64xi32, #tpu.memory_space<vmem>>, vector<1x64xi32>,
      %get3A_269 = arith.constant 0 : index
      %get3A_270 = arith.constant 0 : index
      %get3A_271 = vector.load %arg9[%get3A_269, %get3A_270] : memref<1x8xf32, #tpu.memory_space<vmem>>, vector<1x8xf32>
      %div3A_272 = arith.constant 4.096000e+03 : f32
      %div3A_273 = vector.broadcast %div3A_272 : f32 to vector<1x8xf32>
      %div3A_274 = arith.divf %get3A_271, %div3A_273 : vector<1x8xf32>
      %get3A_275 = arith.constant 0 : index
      %get3A_276 = arith.constant 0 : index
      %get3A_277 = vector.load %arg10[%get3A_275, %get3A_276] : memref<1x8xf32, #tpu.memory_space<vmem>>, vector<1x8xf32>
      %div3A_278 = arith.constant 4.096000e+03 : f32
      %div3A_279 = vector.broadcast %div3A_278 : f32 to vector<1x8xf32>
      %div3A_280 = arith.divf %get3A_277, %div3A_279 : vector<1x8xf32>
      %mul3A_281 = arith.mulf %div3A_274, %div3A_280 : vector<1x8xf32>
      %reduce_sum3A_282 = arith.constant dense<0.000000e+00> : vector<1xf32>
      %reduce_sum3A_283 = vector.multi_reduction <add>, %mul3A_281, %reduce_sum3A_282 [1] : vector<1x8xf32> to vector<1xf32>
      %broadcast_in_dim3A_284 = vector.shape_cast %reduce_sum3A_283 : vector<1xf32> to vector<1x1xf32>
      %mul3A_285 = arith.constant 8.000000e+00 : f32
      %mul3A_286 = vector.broadcast %mul3A_285 : f32 to vector<1x1xf32>
      %mul3A_287 = arith.mulf %broadcast_in_dim3A_284, %mul3A_286 : vector<1x1xf32>
      %swap3A_288 = arith.constant 0 : index
      %swap3A_289 = arith.constant 0 : index
      %swap3A_290 = vector.load %arg7[%swap3A_288, %swap3A_289] : memref<1x1xf32, #tpu.memory_space<vmem>>, vector<1x1xf32>
      tpu.vector_store %arg7[%swap3A_288, %swap3A_289], %mul3A_287 {strides = array<i32>} : memref<1x1xf32, #tpu.memory_space<vmem>>, vector<1x1xf32>,
    } else {
    }
    return
  }
  func.func @transform_0(%arg0: i32) -> (i32, i32) {
    %c0_i32 = arith.constant 0 : i32
    %c0_i32_0 = arith.constant 0 : i32
    return %arg0, %c0_i32 : i32, i32
  }
  func.func @transform_1(%arg0: i32) -> (i32, i32) {
    %c0_i32 = arith.constant 0 : i32
    %c0_i32_0 = arith.constant 0 : i32
    %c0_i32_1 = arith.constant 0 : i32
    return %c0_i32, %c0_i32_0 : i32, i32
  }
  func.func @transform_2(%arg0: i32) -> (i32, i32) {
    %c0_i32 = arith.constant 0 : i32
    %c0_i32_0 = arith.constant 0 : i32
    %c0_i32_1 = arith.constant 0 : i32
    return %c0_i32, %c0_i32_0 : i32, i32
  }
  func.func @transform_3(%arg0: i32) -> (i32, i32) {
    %c0_i32 = arith.constant 0 : i32
    %c0_i32_0 = arith.constant 0 : i32
    return %arg0, %c0_i32 : i32, i32
  }
  func.func @transform_4(%arg0: i32) -> (i32, i32) {
    %c0_i32 = arith.constant 0 : i32
    %c0_i32_0 = arith.constant 0 : i32
    %c0_i32_1 = arith.constant 0 : i32
    return %c0_i32, %c0_i32_0 : i32, i32
  }
  func.func @transform_5(%arg0: i32) -> (i32, i32) {
    %c0_i32 = arith.constant 0 : i32
    %c0_i32_0 = arith.constant 0 : i32
    %c0_i32_1 = arith.constant 0 : i32
    return %c0_i32, %c0_i32_0 : i32, i32
  }
  func.func @transform_6(%arg0: i32) -> (i32, i32) {
    %c0_i32 = arith.constant 0 : i32
    %c0_i32_0 = arith.constant 0 : i32
    %c0_i32_1 = arith.constant 0 : i32
    return %c0_i32, %c0_i32_0 : i32, i32
  }
}

module attributes {stable_mosaic.version = 14 : i64} {
  func.func @_ffn_body(%arg0: i32, %arg1: memref<1x64xi32, #tpu.memory_space<smem>>, %arg2: memref<256x768xf32, #tpu.memory_space<vmem>>, %arg3: memref<8x768x768xf32, #tpu.memory_space<vmem>>, %arg4: memref<8x1x768xf32, #tpu.memory_space<vmem>>, %arg5: memref<8x768x768xf32, #tpu.memory_space<vmem>>, %arg6: memref<8x1x768xf32, #tpu.memory_space<vmem>>, %arg7: memref<256x768xf32, #tpu.memory_space<vmem>>) attributes {dimension_semantics = [#tpu.dimension_semantics<arbitrary>], iteration_bounds = array<i64: 40>, scalar_prefetch = 1 : i64, scratch_operands = 0 : i64, tpu.core_type = #tpu.core_type<tc>, window_params = [{transform_indices = @transform_0, window_bounds = array<i64: 256, 768>}, {pipeline_mode = #tpu.pipeline_mode<synchronous>, transform_indices = @transform_1, window_bounds = array<i64: 8, 768, 768>}, {pipeline_mode = #tpu.pipeline_mode<synchronous>, transform_indices = @transform_2, window_bounds = array<i64: 8, 1, 768>}, {pipeline_mode = #tpu.pipeline_mode<synchronous>, transform_indices = @transform_3, window_bounds = array<i64: 8, 768, 768>}, {pipeline_mode = #tpu.pipeline_mode<synchronous>, transform_indices = @transform_4, window_bounds = array<i64: 8, 1, 768>}, {transform_indices = @transform_5, window_bounds = array<i64: 256, 768>}]} {
    %get3A = arith.constant 0 : index
    %get3A_0 = arith.index_cast %arg0 : i32 to index
    %get3A_1 = memref.load %arg1[%get3A, %get3A_0] : memref<1x64xi32, #tpu.memory_space<smem>>
    %get3A_2 = arith.constant 0 : index
    %get3A_3 = arith.constant 0 : index
    %get3A_4 = vector.load %arg2[%get3A_2, %get3A_3] : memref<256x768xf32, #tpu.memory_space<vmem>>, vector<256x768xf32>
    %get3A_5 = arith.index_cast %get3A_1 : i32 to index
    %get3A_6 = arith.constant 0 : index
    %get3A_7 = arith.constant 0 : index
    %get3A_8 = vector.load %arg3[%get3A_5, %get3A_6, %get3A_7] : memref<8x768x768xf32, #tpu.memory_space<vmem>>, vector<1x768x768xf32>
    %get3A_9 = vector.shape_cast %get3A_8 : vector<1x768x768xf32> to vector<768x768xf32>
    %dot_general3A = arith.constant dense<0.000000e+00> : vector<256x768xf32>
    %dot_general3A_10 = tpu.matmul %get3A_4, %get3A_9, %dot_general3A {dimension_numbers = #tpu.dot_dimension_numbers<[1], [0], [0], [1], [0, 0, 1, 1], [], []>, transpose_lhs_hint = false} : vector<256x768xf32>, vector<768x768xf32>, vector<256x768xf32> -> vector<256x768xf32>
    %get3A_11 = arith.index_cast %get3A_1 : i32 to index
    %get3A_12 = arith.constant 0 : index
    %get3A_13 = arith.constant 0 : index
    %get3A_14 = vector.load %arg4[%get3A_11, %get3A_12, %get3A_13] : memref<8x1x768xf32, #tpu.memory_space<vmem>>, vector<1x1x768xf32>
    %get3A_15 = vector.shape_cast %get3A_14 : vector<1x1x768xf32> to vector<1x768xf32>
    %add3A = vector.broadcast %get3A_15 : vector<1x768xf32> to vector<256x768xf32>
    %add3A_16 = arith.addf %dot_general3A_10, %add3A : vector<256x768xf32>
    %max3A = arith.constant 0.000000e+00 : f32
    %max3A_17 = vector.broadcast %max3A : f32 to vector<256x768xf32>
    %max3A_18 = arith.maximumf %add3A_16, %max3A_17 : vector<256x768xf32>
    %get3A_19 = arith.index_cast %get3A_1 : i32 to index
    %get3A_20 = arith.constant 0 : index
    %get3A_21 = arith.constant 0 : index
    %get3A_22 = vector.load %arg5[%get3A_19, %get3A_20, %get3A_21] : memref<8x768x768xf32, #tpu.memory_space<vmem>>, vector<1x768x768xf32>
    %get3A_23 = vector.shape_cast %get3A_22 : vector<1x768x768xf32> to vector<768x768xf32>
    %dot_general3A_24 = arith.constant dense<0.000000e+00> : vector<256x768xf32>
    %dot_general3A_25 = tpu.matmul %max3A_18, %get3A_23, %dot_general3A_24 {dimension_numbers = #tpu.dot_dimension_numbers<[1], [0], [0], [1], [0, 0, 1, 1], [], []>, transpose_lhs_hint = false} : vector<256x768xf32>, vector<768x768xf32>, vector<256x768xf32> -> vector<256x768xf32>
    %get3A_26 = arith.index_cast %get3A_1 : i32 to index
    %get3A_27 = arith.constant 0 : index
    %get3A_28 = arith.constant 0 : index
    %get3A_29 = vector.load %arg6[%get3A_26, %get3A_27, %get3A_28] : memref<8x1x768xf32, #tpu.memory_space<vmem>>, vector<1x1x768xf32>
    %get3A_30 = vector.shape_cast %get3A_29 : vector<1x1x768xf32> to vector<1x768xf32>
    %add3A_31 = vector.broadcast %get3A_30 : vector<1x768xf32> to vector<256x768xf32>
    %add3A_32 = arith.addf %dot_general3A_25, %add3A_31 : vector<256x768xf32>
    %swap3A = arith.constant 0 : index
    %swap3A_33 = arith.constant 0 : index
    %swap3A_34 = vector.load %arg7[%swap3A, %swap3A_33] : memref<256x768xf32, #tpu.memory_space<vmem>>, vector<256x768xf32>
    tpu.vector_store %arg7[%swap3A, %swap3A_33], %add3A_32 {strides = array<i32>} : memref<256x768xf32, #tpu.memory_space<vmem>>, vector<256x768xf32>,
    return
  }
  func.func @transform_0(%arg0: i32, %arg1: memref<1x64xi32, #tpu.memory_space<smem>>) -> (i32, i32) {
    %c0_i32 = arith.constant 0 : i32
    %c0_i32_0 = arith.constant 0 : i32
    return %arg0, %c0_i32 : i32, i32
  }
  func.func @transform_1(%arg0: i32, %arg1: memref<1x64xi32, #tpu.memory_space<smem>>) -> (i32, i32, i32) {
    %c0_i32 = arith.constant 0 : i32
    %c0_i32_0 = arith.constant 0 : i32
    %c0_i32_1 = arith.constant 0 : i32
    %c0_i32_2 = arith.constant 0 : i32
    return %c0_i32, %c0_i32_0, %c0_i32_1 : i32, i32, i32
  }
  func.func @transform_2(%arg0: i32, %arg1: memref<1x64xi32, #tpu.memory_space<smem>>) -> (i32, i32, i32) {
    %c0_i32 = arith.constant 0 : i32
    %c0_i32_0 = arith.constant 0 : i32
    %c0_i32_1 = arith.constant 0 : i32
    %c0_i32_2 = arith.constant 0 : i32
    return %c0_i32, %c0_i32_0, %c0_i32_1 : i32, i32, i32
  }
  func.func @transform_3(%arg0: i32, %arg1: memref<1x64xi32, #tpu.memory_space<smem>>) -> (i32, i32, i32) {
    %c0_i32 = arith.constant 0 : i32
    %c0_i32_0 = arith.constant 0 : i32
    %c0_i32_1 = arith.constant 0 : i32
    %c0_i32_2 = arith.constant 0 : i32
    return %c0_i32, %c0_i32_0, %c0_i32_1 : i32, i32, i32
  }
  func.func @transform_4(%arg0: i32, %arg1: memref<1x64xi32, #tpu.memory_space<smem>>) -> (i32, i32, i32) {
    %c0_i32 = arith.constant 0 : i32
    %c0_i32_0 = arith.constant 0 : i32
    %c0_i32_1 = arith.constant 0 : i32
    %c0_i32_2 = arith.constant 0 : i32
    return %c0_i32, %c0_i32_0, %c0_i32_1 : i32, i32, i32
  }
  func.func @transform_5(%arg0: i32, %arg1: memref<1x64xi32, #tpu.memory_space<smem>>) -> (i32, i32) {
    %c0_i32 = arith.constant 0 : i32
    %c0_i32_0 = arith.constant 0 : i32
    return %arg0, %c0_i32 : i32, i32
  }
}

</mosaic_0001>

<sc_bundles>
// kernel: kernel.10.cloned.1.call-start
scs
__scs_entry_jumppad:
0x0: {  	(pc) =	sbr.rel $0x88, $3  }
0x1: {  	(tag) =	ssettag $0x0;
	lr =	simm.s32 $0x1  }
0x2: {  	[smem:$0x3F9A] =	sst lr;
	_ =	strace $0xD0000000  }
0x3: {  	_ = 	snop  }
0x4: {  	_ = 	snop  }
0x5: {  	_ = 	snop  }
0x6: {  	_ = 	snop  }
0x7: {  	_ = 	snop  }
__scs_overlays_trampoline_lowered:
0x8: {  	[smem:$0x3FA9] =	sst s0  }
0x9: {  	[smem:$0x3FAA] =	sst s1  }
0xa: {  	[smem:$0x3FAB] =	sst s2  }
0xb: {  	[smem:$0x3FAC] =	sst s3  }
0xc: {  	[smem:$0x3FAD] =	sst s4  }
0xd: {  	[smem:$0x3FAE] =	sst s5  }
0xe: {  	[smem:$0x3FAF] =	sst s6  }
0xf: {  	[smem:$0x3FB0] =	sst s7  }
0x10: {  	[smem:$0x3FB1] =	sst s8  }
0x11: {  	[smem:$0x3FB2] =	sst s9;
	s0 =	simm.s32 @!p0 $0x0  }
0x12: {  	s1 =	sld [smem:$0x3F98];
	s0 =	simm.s32 @p0 $0x1  }
0x13: {  	[smem:$0x3FB3] =	sst s0;
	s0 =	simm.s32 @!p1 $0x0  }
0x14: {  	s2 =	sld [smem:$0x3F97];
	s0 =	simm.s32 @p1 $0x1  }
0x15: {  	[smem:$0x3FB4] =	sst s0;
	s0 =	simm.s32 @!p2 $0x0  }
0x16: {  	s3 =	sld [smem:$0x3FDB];
	s0 =	simm.s32 @p2 $0x1  }
0x17: {  	s4 =	simm.s32 $0x1BF5;
	[smem:$0x3FB6] =	sst s0  }
0x18: {  	s0 =	sld [smem:$0x3F99];
	_ =	swait.ge [sflag:s4], $0x0  }
0x19: {  	s7 =	sld [smem:$0x3F9A]  }
0x1a: {  	s8 =	sadd.s32 $0xFFFFE003, lr  }
0x1b: {  	s9 =	sadd.s32 $0xFFFFFEF7, lr;
	s5 =	simm.s32 $0xFFFFFFFF;
	p2 =	slt.u32 s8, $0xFFFFF086  }
0x1c: {  	p1 =	slt.u32 s9, $0xF7A;
	s5 =	simm.s32 @!p2 $0x0  }
0x1d: {  	s5 =	simm.s32 @p1 $0x1;
	p0 =	seq.s32 s7, s2  }
0x1e: {  	s7 =	smul.u32 @!p0 $0xF7A, s2;
	p2 =	seq.s32 @!p0 s5, $0x0  }
0x1f: {  	s9 =	smul.u32 $0xF7A, s1;
	s8 =	simm.s32 @!p0 $0x1BF5;
	p2 =	por !p2, p0  }
0x20: {  	[sflag:s8] =	ssyncset.s32 @!p0 $0xFFFFF086;
	s6 =	sadd.s32 @!p0 s3, s7;
	s7 =	simm.s32 @!p0 $0x108  }
0x21: {  	s3 =	sadd.s32 s3, s9;
	s6 =	sadd.s32 @!p0 $0x88, s6;
	s7 =	simm.s32 @p2 $0x1082  }
0x22: {  	[simem:s7], [sflag:s8] =	dma.local @!p0 [hbm:s6], $0xF7A  }
0x23: {  	s9 =	sor.u32 $0xD0000000, s2;
	s6 =	simm.s32 $0x108;
	_ =	swait.ge @!p0 [sflag:s8], $0x0  }
0x24: {  	s3 =	sadd.s32 $0x88, s3;
	s6 =	simm.s32 @!p1 $0x1082;
	[sflag:s4] =	ssyncset.s32 $0xFFFFF086  }
0x25: {  	[simem:s6], [sflag:s4] =	dma.local [hbm:s3], $0xF7A  }
0x26: {  	[smem:$0x3F9A] =	sst s1;
	(tag) =	ssettag s2;
	_ =	strace s9  }
0x27: {  	s1 =	sld [smem:$0x3FAA]  }
0x28: {  	s2 =	sld [smem:$0x3FAB]  }
0x29: {  	s4 =	sld [smem:$0x3FAD]  }
0x2a: {  	p0 =	seq.s32 s5, $0x0;
	s5 =	sld [smem:$0x3FAE]  }
0x2b: {  	s6 =	sld [smem:$0x3FAF]  }
0x2c: {  	s7 =	sld [smem:$0x3FB0]  }
0x2d: {  	s3 =	simm.s32 $0x108;
	s8 =	sld [smem:$0x3FB1]  }
0x2e: {  	s3 =	simm.s32 @!p0 $0x1082;
	s9 =	sld [smem:$0x3FB2]  }
0x2f: {  	lr =	sadd.s32 s0, s3;
	s0 =	sld [smem:$0x3FA9]  }
0x30: {  	s3 =	sld [smem:$0x3FAC]  }
0x31: {  	[smem:$0x3FB5] =	sst s10  }
0x32: {  	s10 =	sld [smem:$0x3FB3];
	_ =	sdelay $0x3  }
0x33: {  	p0 =	seq.s32 s10, $0x1;
	s10 =	sld [smem:$0x3FB5];
	_ =	sdelay $0x3  }
0x34: {  	[smem:$0x3FB5] =	sst s10  }
0x35: {  	s10 =	sld [smem:$0x3FB4];
	_ =	sdelay $0x3  }
0x36: {  	p1 =	seq.s32 s10, $0x1;
	s10 =	sld [smem:$0x3FB5];
	_ =	sdelay $0x3  }
0x37: {  	[smem:$0x3FB5] =	sst s10  }
0x38: {  	s10 =	sld [smem:$0x3FB6]  }
0x39: {  	_ = 	snop;
	(pc) =	sbr.ind lr, $3  }
0x3a: {  	_ = 	snop  }
0x3b: {  	_ = 	snop  }
0x3c: {  	p2 =	seq.s32 s10, $0x1;
	s10 =	sld [smem:$0x3FB5]  }
0x3d: {  	_ =	shalt  }
0x3e: {  	_ =	shalt  }
0x3f: {  	_ =	shalt  }
0x40: {  	_ =	shalt  }
0x41: {  	_ =	shalt  }
0x42: {  	_ =	shalt  }
0x43: {  	_ =	shalt  }
0x44: {  	_ =	shalt  }
0x45: {  	_ =	shalt  }
0x46: {  	_ =	shalt  }
0x47: {  	_ =	shalt  }
0x48: {  	_ =	shalt  }
0x49: {  	_ =	shalt  }
0x4a: {  	_ =	shalt  }
0x4b: {  	_ =	shalt  }
0x4c: {  	_ =	shalt  }
0x4d: {  	_ =	shalt  }
0x4e: {  	_ =	shalt  }
0x4f: {  	_ =	shalt  }
0x50: {  	_ =	shalt  }
0x51: {  	_ =	shalt  }
0x52: {  	_ =	shalt  }
0x53: {  	_ =	shalt  }
0x54: {  	_ =	shalt  }
0x55: {  	_ =	shalt  }
0x56: {  	_ =	shalt  }
0x57: {  	_ =	shalt  }
0x58: {  	_ =	shalt  }
0x59: {  	_ =	shalt  }
0x5a: {  	_ =	shalt  }
0x5b: {  	_ =	shalt  }
0x5c: {  	_ =	shalt  }
0x5d: {  	_ =	shalt  }
0x5e: {  	_ =	shalt  }
0x5f: {  	_ =	shalt  }
0x60: {  	_ =	shalt  }
0x61: {  	_ =	shalt  }
0x62: {  	_ =	shalt  }
0x63: {  	_ =	shalt  }
0x64: {  	_ =	shalt  }
0x65: {  	_ =	shalt  }
0x66: {  	_ =	shalt  }
0x67: {  	_ =	shalt  }
0x68: {  	_ =	shalt  }
0x69: {  	_ =	shalt  }
0x6a: {  	_ =	shalt  }
0x6b: {  	_ =	shalt  }
0x6c: {  	_ =	shalt  }
0x6d: {  	_ =	shalt  }
0x6e: {  	_ =	shalt  }
0x6f: {  	_ =	shalt  }
0x70: {  	_ =	shalt  }
0x71: {  	_ =	shalt  }
0x72: {  	_ =	shalt  }
0x73: {  	_ =	shalt  }
0x74: {  	_ =	shalt  }
0x75: {  	_ =	shalt  }
0x76: {  	_ =	shalt  }
0x77: {  	_ =	shalt  }
0x78: {  	_ =	shalt  }
0x79: {  	_ =	shalt  }
0x7a: {  	_ =	shalt  }
0x7b: {  	_ =	shalt  }
0x7c: {  	_ =	shalt  }
0x7d: {  	_ =	shalt  }
0x7e: {  	_ =	shalt  }
0x7f: {  	_ =	shalt  }
0x80: {  	_ =	shalt  }
0x81: {  	_ =	shalt  }
0x82: {  	_ =	shalt  }
0x83: {  	_ =	shalt  }
0x84: {  	_ =	shalt  }
0x85: {  	_ =	shalt  }
0x86: {  	_ =	shalt  }
0x87: {  	_ =	shalt  }
.Lfunc_end0:
.L_simem_size_0:
called_computation.1_lowered:
.L_overlay_start_0:
0x88: {  	s2 =	sld [smem:$0x3FD9]  }
0x89: {  	s3 =	sld [smem:$0x3FFE];
	_ =	sdelay $0x1  }
0x8a: {  	s1 =	srdreg.scid  }
0x8b: {  	s0 =	sand.u32 $0x1, s1  }
0x8c: {  	s14 =	sshll.u32 s0, $0xA;
	s2 =	sadd.s32 s3, s2  }
0x8d: {  	s2 =	sadd.s32 s2, s14  }
0x8e: {  	[smem:$0x3FC1] =	sst s2  }
0x8f: {  	_ = 	snop  }
0x90: {  	s2 =	sld [smem:$0x3FD0];
	_ =	sdelay $0x2  }
0x91: {  	s15 =	simm.s32 $0xA;
	s4 =	simm.s32 $0x10  }
0x92: {  	[smem:s4], [sflag:s15] =	dma.local [hbm:s2], $0x1  }
0x93: {  	_ =	swait.eq [sflag:s15], $0x1  }
0x94: {  	[sflag:s15] =	ssyncset.done $0x0  }
0x95: {  	[sflag:s15] =	ssyncadd.s32 $0xFFFFFFFF  }
0x96: {  	s16 =	sld [smem:$0x10];
	(tm) =	ssettm $0x1  }
0x97: {  	s17 =	sld [smem:$0x3FFB];
	_ =	sdelay $0x3  }
0x98: {  	_ =	strace s17  }
0x99: {  	s3 =	sld [smem:$0x3FFC];
	_ =	sdelay $0x3  }
0x9a: {  	_ =	strace s3  }
0x9b: {  	s3 =	sld [smem:$0x3FFD];
	_ =	sdelay $0x3  }
0x9c: {  	_ =	strace s3  }
0x9d: {  	_ =	strace $0x8FFFFFFF  }
0x9e: {  	s18 =	sld [smem:$0x3FDB];
	_ =	sdelay $0x1  }
0x9f: {  	s19 =	simm.s32 $_scs_section_size  }
0xa0: {  	s5 =	simm.s32 $_size__tile_overlayer_lowered;
	s6 =	simm.s32 $_tile_overlayer_lowered  }
0xa1: {  	s22 =	simm.s32 $0x1BFF;
	s21 =	sshll.u32 s6, $0x1;
	s3 =	sadd.s32 s19, s18  }
0xa2: {  	s7 =	simm.s32 $0x0;
	s20 =	sshll.u32 s5, $0x1;
	s5 =	sadd.s32 s21, s3  }
0xa3: {  	[timem:s7], [sflag:s22] =	dma.local [hbm:s5], s20  }
0xa4: {  	_ =	swait.ge [sflag:s22], s20  }
0xa5: {  	s4 =	ssub.s32 $0x0, s20;
	[sflag:s22] =	ssyncset.done $0x0  }
0xa6: {  	[sflag:s22] =	ssyncadd.s32 s4;
	_ =	sdelay $0x1  }
0xa7: {  	s23 =	simm.s32 $0x1B8B  }
0xa8: {  	_ =	swait.ge [sflag:s23], $0x1  }
0xa9: {  	[sflag:s23] =	ssyncset.done $0x0  }
0xaa: {  	s25 =	simm.s32 $0x1B8E;
	s24 =	sld [smem:$0x3FFE];
	[sflag:s23] =	ssyncadd.s32 $0xFFFFFFFF  }
0xab: {  	s26 =	simm.s32 $execute0_lowered;
	[smem:$0x3FD2] =	sst s25  }
0xac: {  	s5 =	sshll.u32 s26, $0x1;
	_ =	strace $0x80000049;
	[dreg:$0x1] =	wrdreg $0xFFFFFFFF  }
0xad: {  	s28 =	simm.s32 $_size_execute0_lowered;
	s3 =	sadd.s32 s3, s5;
	[dreg:$0x0] =	wrdreg $0x0  }
0xae: {  	s5 =	sshll.u32 s28, $0x1;
	[dreg:$0x2] =	wrdreg s3  }
0xaf: {  	[dreg:$0x3] =	wrdreg s5  }
0xb0: {  	[dreg:$0x4] =	wrdreg $0xC0  }
0xb1: {  	_ =	task [dreg:s7], $0x5FFFF  }
0xb2: {  	[dreg:$0x1] =	wrdreg $0xFFFFFFFF  }
0xb3: {  	[dreg:$0x0] =	wrdreg $0x60  }
0xb4: {  	[dreg:$0x2] =	wrdreg s24  }
0xb5: {  	[dreg:$0x3] =	wrdreg s16  }
0xb6: {  	[dreg:$0x4] =	wrdreg $0x9  }
0xb7: {  	_ =	task.clear_ibuf [dreg:s7], $0x5FFFF;
	_ =	strace $0x90000049  }
0xb8: {  	s29 =	simm.s32 $0x9;
	_ =	strace $0x8000004B  }
0xb9: {  	_ =	swait.ge [sflag:s29], $0x1  }
0xba: {  	[sflag:s29] =	ssyncadd.s32 $0xFFFFFFFF  }
0xbb: {  	_ =	strace $0x9000004B  }
0xbc: {  	_ =	sfence  }
0xbd: {  	s30 =	sld [smem:$0x0];
	_ =	sdelay $0x2  }
0xbe: {  	s31 =	sshll.u32 s1, $0xD;
	s1 =	sshrl.u32 s1, $0x2  }
0xbf: {  	s3 =	sand.u32 $0x4000, s31;
	s1 =	sadd.s32 s1, s30  }
0xc0: {  	s0 =	sor.u32 s3, s0;
	s1 =	sshll.u32 s1, $0x11  }
0xc1: {  	s0 =	sor.u32 s1, s0  }
0xc2: {  	s0 =	sadd.s32 $0x8F2B, s0  }
0xc3: {  	[sflag:s0] =	ssyncadd.remote.s32 $0x1  }
0xc4: {  	_ =	sfence.sel $0xFFFF  }
0xc5: {  	[dreg:$0x0] =	wrdreg $0xFFFFFFFF;
	(pc) =	sbr.abs _section_cstart, $3  }
0xc6: {  	[dreg:$0x1] =	wrdreg $0xFFFFFFFF  }
0xc7: {  	_ =	task.clear_ibuf [dreg:s7], $0x2FFFF;
	_ =	strace $0x9FFFFFFF  }
0xc8: {  	(tm) =	ssettm $0x7FFFFFFF  }
0xc9: {  	_ =	shalt  }
tec
execute0_lowered:
.L_overlay_start_1:
0x0: {  	(tag) =	ssettag $0x1  }
0x1: {  	s0 =	srdreg.scid;
	s1 =	rddreg [dreg:$0x0]  }
0x2: {  	s2 =	stileid.u32;
	s4 =	rddreg [dreg:$0x1]  }
0x3: {  	s10 =	simm.s32 $0x880;
	s11 =	simm.s32 $0x1080;
	s12 =	simm.s32 $0x1880  }
0x4: {  	s13 =	simm.s32 $0x2080;
	s14 =	simm.s32 $0x2880;
	s15 =	simm.s32 $0x3080  }
0x5: {  	s16 =	simm.s32 $0x3880;
	s17 =	simm.s32 $0x4080;
	s18 =	simm.s32 $0x4880  }
0x6: {  	s19 =	simm.s32 $0x5080;
	s20 =	simm.s32 $0x5880;
	s21 =	simm.s32 $0x6080  }
0x7: {  	s22 =	simm.s32 $0x6880;
	s23 =	simm.s32 $0x7080;
	s28 =	simm.s32 $0x9080  }
0x8: {  	s29 =	simm.s32 $0x9880;
	s30 =	simm.s32 $0xA080;
	s31 =	simm.s32 $0xA880  }
0x9: {  	s0 =	sand.u32 $0x1, s0;
	s3 =	sshll.u32 s2, $0x5;
	s2 =	simm.s32 $0x0  }
0xa: {  	s5 =	sshll.u32 s0, $0x4;
	[smem:$0x7FF] =	sst s2;
	s0 =	ssub.s32 $0x2, s0  }
0xb: {  	s3 =	sor.u32 s5, s3;
	_ =	strace $0x8000004A;
	s24 =	sshrl.u32 s0, $0x1  }
0xc: {  	s5 =	smul.u32 $0x300, s3;
	s6 =	sadd.s32 s3, s1;
	s3 =	sadd.s32 $0xF2E00, s1  }
0xd: {  	s0 =	ssub.s32 s0, s24;
	s24 =	simm.s32 $0x7880;
	s8 =	sadd.s32 $0x2C00, s6  }
0xe: {  	s25 =	sadd.s32 $0x2A00, s6;
	s6 =	smax.u32 s0, $0x1;
	[dreg:$0x3] =	wrdreg s8  }
0xf: {  	s7 =	sadd.s32 s5, s1;
	s4 =	sadd.s32 s4, s5;
	[dreg:$0x5] =	wrdreg s25  }
0x10: {  	v2 =	vlaneseq.u32;
	s5 =	sadd.s32 $0xF3000, s1;
	s8 =	simm.s32 $0x1;
	s25 =	simm.s32 $0x8080  }
0x11: {  	vm0 =	vmmov $0xffff;
	v1 =	vshrl.u32 v2, $0x3;
	[dreg:$0x4] =	wrdreg s4;
	s26 =	sadd.s32 $0x2E00, s7;
	s4 =	sadd.s32 $0xF2F00, s1  }
0x12: {  	v0 =	vand.u32 $0x7, v2;
	v2 =	vor.u32 $0x8, v2;
	v1 =	vmul.u32 $0x8, v1;
	s7 =	simm.s32 $0x2;
	[dreg:$0x6] =	wrdreg s26;
	s26 =	simm.s32 $0x8880  }
.LBB2_1:
0x13: {  	s9 =	rddreg [dreg:$0x3]  }
0x14: {  	[tilespmem:s2], [sflag:$0x2] =	stream.linear.gather [hbm4b:s9+s2], $0x80, $0x38;
	[tilespmem:$0x18080] =	vst v63  }
0x15: {  	_ =	swait.ge [sflag:s7], $0x80  }
0x16: {  	[sflag:s7] =	ssyncset.done $0x0  }
0x17: {  	[sflag:s7] =	ssyncadd.s32 $0xFFFFFF80  }
0x18: {  	v3 =	vld [tilespmem:$0x0];
	_ =	sdelay $0x4  }
0x19: {  	v4 =	vshrl.u32 v3, $0x3  }
0x1a: {  	v4 =	vmul.u32 $0x30, v4  }
0x1b: {  	v3 =	vand.u32 $0x7, v3  }
0x1c: {  	v3 =	vor.u32 v3, v4  }
0x1d: {  	v4 =	vperm.xlane v3, v0;
	_ =	sdelay $0x1  }
0x1e: {  	v4 =	vadd.s32 v1, v4;
	_ =	sdelay $0x3  }
0x1f: {  	s1 =	simm.s32 $0x80;
	v3 =	vperm.xlane v3, v2  }
0x20: {  	[tilespmem:s1], [sflag:$0x1] =	stream.indirect_vreg.gather [hbm4b:s3+s2], $0x80, v4, vm0, $0xb8;
	[tilespmem:$0x18080] =	vst v63  }
0x21: {  	v3 =	vadd.s32 v1, v3  }
0x22: {  	[tilespmem:s10], [sflag:$0x1] =	stream.indirect_vreg.gather [hbm4b:s4+s2], $0x80, v4, vm0, $0xb8;
	[tilespmem:$0x18080] =	vst v63  }
0x23: {  	_ = 	snop  }
0x24: {  	[tilespmem:s11], [sflag:$0x1] =	stream.indirect_vreg.gather [hbm4b:s5+s2], $0x80, v4, vm0, $0xb8;
	[tilespmem:$0x18080] =	vst v63  }
0x25: {  	_ = 	snop  }
0x26: {  	[tilespmem:s12], [sflag:$0x1] =	stream.indirect_vreg.gather [hbm4b:s3+s2], $0x80, v3, vm0, $0xb8;
	[tilespmem:$0x18080] =	vst v63  }
0x27: {  	_ = 	snop  }
0x28: {  	[tilespmem:s13], [sflag:$0x1] =	stream.indirect_vreg.gather [hbm4b:s4+s2], $0x80, v3, vm0, $0xb8;
	[tilespmem:$0x18080] =	vst v63  }
0x29: {  	_ = 	snop  }
0x2a: {  	[tilespmem:s14], [sflag:$0x1] =	stream.indirect_vreg.gather [hbm4b:s5+s2], $0x80, v3, vm0, $0xb8;
	[tilespmem:$0x18080] =	vst v63  }
0x2b: {  	v3 =	vld [tilespmem:$0x10];
	_ =	sdelay $0x4  }
0x2c: {  	v49 =	vshrl.u32 v3, $0x3  }
0x2d: {  	v4 =	vmul.u32 $0x30, v49  }
0x2e: {  	v3 =	vand.u32 $0x7, v3  }
0x2f: {  	v3 =	vor.u32 v3, v4  }
0x30: {  	v4 =	vperm.xlane v3, v0;
	_ =	sdelay $0x1  }
0x31: {  	v4 =	vadd.s32 v1, v4;
	_ =	sdelay $0x3  }
0x32: {  	v3 =	vperm.xlane v3, v2  }
0x33: {  	[tilespmem:s15], [sflag:$0x1] =	stream.indirect_vreg.gather [hbm4b:s3+s2], $0x80, v4, vm0, $0xb8;
	[tilespmem:$0x18080] =	vst v63  }
0x34: {  	v3 =	vadd.s32 v1, v3  }
0x35: {  	[tilespmem:s16], [sflag:$0x1] =	stream.indirect_vreg.gather [hbm4b:s4+s2], $0x80, v4, vm0, $0xb8;
	[tilespmem:$0x18080] =	vst v63  }
0x36: {  	_ = 	snop  }
0x37: {  	[tilespmem:s17], [sflag:$0x1] =	stream.indirect_vreg.gather [hbm4b:s5+s2], $0x80, v4, vm0, $0xb8;
	[tilespmem:$0x18080] =	vst v63  }
0x38: {  	_ = 	snop  }
0x39: {  	[tilespmem:s18], [sflag:$0x1] =	stream.indirect_vreg.gather [hbm4b:s3+s2], $0x80, v3, vm0, $0xb8;
	[tilespmem:$0x18080] =	vst v63  }
0x3a: {  	_ = 	snop  }
0x3b: {  	[tilespmem:s19], [sflag:$0x1] =	stream.indirect_vreg.gather [hbm4b:s4+s2], $0x80, v3, vm0, $0xb8;
	[tilespmem:$0x18080] =	vst v63  }
0x3c: {  	_ = 	snop  }
0x3d: {  	[tilespmem:s20], [sflag:$0x1] =	stream.indirect_vreg.gather [hbm4b:s5+s2], $0x80, v3, vm0, $0xb8;
	[tilespmem:$0x18080] =	vst v63  }
0x3e: {  	v3 =	vld [tilespmem:$0x20];
	_ =	sdelay $0x4  }
0x3f: {  	v50 =	vshrl.u32 v3, $0x3  }
0x40: {  	v4 =	vmul.u32 $0x30, v50  }
0x41: {  	v3 =	vand.u32 $0x7, v3  }
0x42: {  	v3 =	vor.u32 v3, v4  }
0x43: {  	v4 =	vperm.xlane v3, v0;
	_ =	sdelay $0x1  }
0x44: {  	v4 =	vadd.s32 v1, v4;
	_ =	sdelay $0x3  }
0x45: {  	v3 =	vperm.xlane v3, v2  }
0x46: {  	[tilespmem:s21], [sflag:$0x1] =	stream.indirect_vreg.gather [hbm4b:s3+s2], $0x80, v4, vm0, $0xb8;
	[tilespmem:$0x18080] =	vst v63  }
0x47: {  	v3 =	vadd.s32 v1, v3  }
0x48: {  	[tilespmem:s22], [sflag:$0x1] =	stream.indirect_vreg.gather [hbm4b:s4+s2], $0x80, v4, vm0, $0xb8;
	[tilespmem:$0x18080] =	vst v63  }
0x49: {  	_ = 	snop  }
0x4a: {  	[tilespmem:s23], [sflag:$0x1] =	stream.indirect_vreg.gather [hbm4b:s5+s2], $0x80, v4, vm0, $0xb8;
	[tilespmem:$0x18080] =	vst v63  }
0x4b: {  	_ = 	snop  }
0x4c: {  	[tilespmem:s24], [sflag:$0x1] =	stream.indirect_vreg.gather [hbm4b:s3+s2], $0x80, v3, vm0, $0xb8;
	[tilespmem:$0x18080] =	vst v63  }
0x4d: {  	_ = 	snop  }
0x4e: {  	[tilespmem:s25], [sflag:$0x1] =	stream.indirect_vreg.gather [hbm4b:s4+s2], $0x80, v3, vm0, $0xb8;
	[tilespmem:$0x18080] =	vst v63  }
0x4f: {  	_ = 	snop  }
0x50: {  	[tilespmem:s26], [sflag:$0x1] =	stream.indirect_vreg.gather [hbm4b:s5+s2], $0x80, v3, vm0, $0xb8;
	[tilespmem:$0x18080] =	vst v63  }
0x51: {  	v3 =	vld [tilespmem:$0x30];
	_ =	sdelay $0x4  }
0x52: {  	v51 =	vshrl.u32 v3, $0x3  }
0x53: {  	v4 =	vmul.u32 $0x30, v51  }
0x54: {  	v3 =	vand.u32 $0x7, v3  }
0x55: {  	v3 =	vor.u32 v3, v4  }
0x56: {  	v4 =	vperm.xlane v3, v0;
	_ =	sdelay $0x1  }
0x57: {  	v4 =	vadd.s32 v1, v4;
	_ =	sdelay $0x3  }
0x58: {  	v3 =	vperm.xlane v3, v2  }
0x59: {  	[tilespmem:s28], [sflag:$0x1] =	stream.indirect_vreg.gather [hbm4b:s3+s2], $0x80, v4, vm0, $0xb8;
	[tilespmem:$0x18080] =	vst v63  }
0x5a: {  	v3 =	vadd.s32 v1, v3  }
0x5b: {  	[tilespmem:s29], [sflag:$0x1] =	stream.indirect_vreg.gather [hbm4b:s4+s2], $0x80, v4, vm0, $0xb8;
	[tilespmem:$0x18080] =	vst v63  }
0x5c: {  	_ = 	snop  }
0x5d: {  	[tilespmem:s30], [sflag:$0x1] =	stream.indirect_vreg.gather [hbm4b:s5+s2], $0x80, v4, vm0, $0xb8;
	[tilespmem:$0x18080] =	vst v63  }
0x5e: {  	_ = 	snop  }
0x5f: {  	[tilespmem:s31], [sflag:$0x1] =	stream.indirect_vreg.gather [hbm4b:s3+s2], $0x80, v3, vm0, $0xb8;
	[tilespmem:$0x18080] =	vst v63  }
0x60: {  	s1 =	simm.s32 $0xB080  }
0x61: {  	[tilespmem:s1], [sflag:$0x1] =	stream.indirect_vreg.gather [hbm4b:s4+s2], $0x80, v3, vm0, $0xb8;
	[tilespmem:$0x18080] =	vst v63  }
0x62: {  	s0 =	simm.s32 $0xB880  }
0x63: {  	[tilespmem:s0], [sflag:$0x1] =	stream.indirect_vreg.gather [hbm4b:s5+s2], $0x80, v3, vm0, $0xb8;
	[tilespmem:$0x18080] =	vst v63  }
0x64: {  	v3 =	vld [tilespmem:$0x40];
	_ =	sdelay $0x4  }
0x65: {  	v52 =	vshrl.u32 v3, $0x3  }
0x66: {  	v4 =	vmul.u32 $0x30, v52  }
0x67: {  	v3 =	vand.u32 $0x7, v3  }
0x68: {  	v3 =	vor.u32 v3, v4  }
0x69: {  	v4 =	vperm.xlane v3, v0;
	_ =	sdelay $0x1  }
0x6a: {  	v4 =	vadd.s32 v1, v4;
	_ =	sdelay $0x3  }
0x6b: {  	s9 =	simm.s32 $0xC080;
	v3 =	vperm.xlane v3, v2  }
0x6c: {  	[tilespmem:s9], [sflag:$0x1] =	stream.indirect_vreg.gather [hbm4b:s3+s2], $0x80, v4, vm0, $0xb8;
	[tilespmem:$0x18080] =	vst v63  }
0x6d: {  	v3 =	vadd.s32 v1, v3;
	s9 =	simm.s32 $0xC880  }
0x6e: {  	[tilespmem:s9], [sflag:$0x1] =	stream.indirect_vreg.gather [hbm4b:s4+s2], $0x80, v4, vm0, $0xb8;
	[tilespmem:$0x18080] =	vst v63  }
0x6f: {  	s9 =	simm.s32 $0xD080  }
0x70: {  	[tilespmem:s9], [sflag:$0x1] =	stream.indirect_vreg.gather [hbm4b:s5+s2], $0x80, v4, vm0, $0xb8;
	[tilespmem:$0x18080] =	vst v63  }
0x71: {  	s9 =	simm.s32 $0xD880  }
0x72: {  	[tilespmem:s9], [sflag:$0x1] =	stream.indirect_vreg.gather [hbm4b:s3+s2], $0x80, v3, vm0, $0xb8;
	[tilespmem:$0x18080] =	vst v63  }
0x73: {  	s9 =	simm.s32 $0xE080  }
0x74: {  	[tilespmem:s9], [sflag:$0x1] =	stream.indirect_vreg.gather [hbm4b:s4+s2], $0x80, v3, vm0, $0xb8;
	[tilespmem:$0x18080] =	vst v63  }
0x75: {  	s9 =	simm.s32 $0xE880  }
0x76: {  	[tilespmem:s9], [sflag:$0x1] =	stream.indirect_vreg.gather [hbm4b:s5+s2], $0x80, v3, vm0, $0xb8;
	[tilespmem:$0x18080] =	vst v63  }
0x77: {  	v3 =	vld [tilespmem:$0x50];
	_ =	sdelay $0x4  }
0x78: {  	v53 =	vshrl.u32 v3, $0x3  }
0x79: {  	v4 =	vmul.u32 $0x30, v53  }
0x7a: {  	v3 =	vand.u32 $0x7, v3  }
0x7b: {  	v3 =	vor.u32 v3, v4  }
0x7c: {  	v4 =	vperm.xlane v3, v0;
	_ =	sdelay $0x1  }
0x7d: {  	v4 =	vadd.s32 v1, v4;
	_ =	sdelay $0x3  }
0x7e: {  	s9 =	simm.s32 $0xF080;
	v3 =	vperm.xlane v3, v2  }
0x7f: {  	[tilespmem:s9], [sflag:$0x1] =	stream.indirect_vreg.gather [hbm4b:s3+s2], $0x80, v4, vm0, $0xb8;
	[tilespmem:$0x18080] =	vst v63  }
0x80: {  	v3 =	vadd.s32 v1, v3;
	s9 =	simm.s32 $0xF880  }
0x81: {  	[tilespmem:s9], [sflag:$0x1] =	stream.indirect_vreg.gather [hbm4b:s4+s2], $0x80, v4, vm0, $0xb8;
	[tilespmem:$0x18080] =	vst v63  }
0x82: {  	s9 =	simm.s32 $0x10080  }
0x83: {  	[tilespmem:s9], [sflag:$0x1] =	stream.indirect_vreg.gather [hbm4b:s5+s2], $0x80, v4, vm0, $0xb8;
	[tilespmem:$0x18080] =	vst v63  }
0x84: {  	s9 =	simm.s32 $0x10880  }
0x85: {  	[tilespmem:s9], [sflag:$0x1] =	stream.indirect_vreg.gather [hbm4b:s3+s2], $0x80, v3, vm0, $0xb8;
	[tilespmem:$0x18080] =	vst v63  }
0x86: {  	s9 =	simm.s32 $0x11080  }
0x87: {  	[tilespmem:s9], [sflag:$0x1] =	stream.indirect_vreg.gather [hbm4b:s4+s2], $0x80, v3, vm0, $0xb8;
	[tilespmem:$0x18080] =	vst v63  }
0x88: {  	s9 =	simm.s32 $0x11880  }
0x89: {  	[tilespmem:s9], [sflag:$0x1] =	stream.indirect_vreg.gather [hbm4b:s5+s2], $0x80, v3, vm0, $0xb8;
	[tilespmem:$0x18080] =	vst v63  }
0x8a: {  	v3 =	vld [tilespmem:$0x60];
	_ =	sdelay $0x4  }
0x8b: {  	v54 =	vshrl.u32 v3, $0x3  }
0x8c: {  	v4 =	vmul.u32 $0x30, v54  }
0x8d: {  	v3 =	vand.u32 $0x7, v3  }
0x8e: {  	v3 =	vor.u32 v3, v4  }
0x8f: {  	v4 =	vperm.xlane v3, v0;
	_ =	sdelay $0x1  }
0x90: {  	v4 =	vadd.s32 v1, v4;
	_ =	sdelay $0x3  }
0x91: {  	s9 =	simm.s32 $0x12080;
	v3 =	vperm.xlane v3, v2  }
0x92: {  	[tilespmem:s9], [sflag:$0x1] =	stream.indirect_vreg.gather [hbm4b:s3+s2], $0x80, v4, vm0, $0xb8;
	[tilespmem:$0x18080] =	vst v63  }
0x93: {  	v3 =	vadd.s32 v1, v3;
	s9 =	simm.s32 $0x12880  }
0x94: {  	[tilespmem:s9], [sflag:$0x1] =	stream.indirect_vreg.gather [hbm4b:s4+s2], $0x80, v4, vm0, $0xb8;
	[tilespmem:$0x18080] =	vst v63  }
0x95: {  	s9 =	simm.s32 $0x13080  }
0x96: {  	[tilespmem:s9], [sflag:$0x1] =	stream.indirect_vreg.gather [hbm4b:s5+s2], $0x80, v4, vm0, $0xb8;
	[tilespmem:$0x18080] =	vst v63  }
0x97: {  	s9 =	simm.s32 $0x13880  }
0x98: {  	[tilespmem:s9], [sflag:$0x1] =	stream.indirect_vreg.gather [hbm4b:s3+s2], $0x80, v3, vm0, $0xb8;
	[tilespmem:$0x18080] =	vst v63  }
0x99: {  	s9 =	simm.s32 $0x14080  }
0x9a: {  	[tilespmem:s9], [sflag:$0x1] =	stream.indirect_vreg.gather [hbm4b:s4+s2], $0x80, v3, vm0, $0xb8;
	[tilespmem:$0x18080] =	vst v63  }
0x9b: {  	s9 =	simm.s32 $0x14880  }
0x9c: {  	[tilespmem:s9], [sflag:$0x1] =	stream.indirect_vreg.gather [hbm4b:s5+s2], $0x80, v3, vm0, $0xb8;
	[tilespmem:$0x18080] =	vst v63  }
0x9d: {  	v3 =	vld [tilespmem:$0x70];
	_ =	sdelay $0x4  }
0x9e: {  	v55 =	vshrl.u32 v3, $0x3  }
0x9f: {  	v4 =	vmul.u32 $0x30, v55  }
0xa0: {  	v3 =	vand.u32 $0x7, v3  }
0xa1: {  	v3 =	vor.u32 v3, v4  }
0xa2: {  	v4 =	vperm.xlane v3, v0;
	_ =	sdelay $0x1  }
0xa3: {  	v4 =	vadd.s32 v1, v4;
	_ =	sdelay $0x3  }
0xa4: {  	s9 =	simm.s32 $0x15080;
	v3 =	vperm.xlane v3, v2  }
0xa5: {  	[tilespmem:s9], [sflag:$0x1] =	stream.indirect_vreg.gather [hbm4b:s3+s2], $0x80, v4, vm0, $0xb8;
	[tilespmem:$0x18080] =	vst v63  }
0xa6: {  	v3 =	vadd.s32 v1, v3;
	s9 =	simm.s32 $0x15880  }
0xa7: {  	[tilespmem:s9], [sflag:$0x1] =	stream.indirect_vreg.gather [hbm4b:s4+s2], $0x80, v4, vm0, $0xb8;
	[tilespmem:$0x18080] =	vst v63  }
0xa8: {  	s9 =	simm.s32 $0x16080  }
0xa9: {  	[tilespmem:s9], [sflag:$0x1] =	stream.indirect_vreg.gather [hbm4b:s5+s2], $0x80, v4, vm0, $0xb8;
	[tilespmem:$0x18080] =	vst v63  }
0xaa: {  	s9 =	simm.s32 $0x16880  }
0xab: {  	[tilespmem:s9], [sflag:$0x1] =	stream.indirect_vreg.gather [hbm4b:s3+s2], $0x80, v3, vm0, $0xb8;
	[tilespmem:$0x18080] =	vst v63  }
0xac: {  	s9 =	simm.s32 $0x17080  }
0xad: {  	[tilespmem:s9], [sflag:$0x1] =	stream.indirect_vreg.gather [hbm4b:s4+s2], $0x80, v3, vm0, $0xb8;
	[tilespmem:$0x18080] =	vst v63  }
0xae: {  	s9 =	simm.s32 $0x17880  }
0xaf: {  	[tilespmem:s9], [sflag:$0x1] =	stream.indirect_vreg.gather [hbm4b:s5+s2], $0x80, v3, vm0, $0xb8;
	[tilespmem:$0x18080] =	vst v63  }
0xb0: {  	_ =	swait.ge [sflag:s8], $0x18000  }
0xb1: {  	[sflag:s8] =	ssyncset.done $0x0  }
0xb2: {  	s0 =	simm.s32 $0x80;
	s9 =	rddreg [dreg:$0x4];
	[sflag:s8] =	ssyncadd.s32 $0xFFFE8000  }
0xb3: {  	[hbm4b:s9+s2] =	stream.linear.scatter [tilespmem:s0], [sflag:$0x2], $0x18000, $0x38;
	[tilespmem:$0x18080] =	vst v63  }
0xb4: {  	_ =	swait.ge [sflag:s7], $0x18000  }
0xb5: {  	[sflag:s7] =	ssyncset.done $0x0  }
0xb6: {  	s9 =	rddreg [dreg:$0x5];
	[sflag:s7] =	ssyncadd.s32 $0xFFFE8000  }
0xb7: {  	[tilespmem:s2], [sflag:$0x2] =	stream.linear.gather [hbm4b:s9+s2], $0x80, $0x38;
	[tilespmem:$0x18080] =	vst v63  }
0xb8: {  	_ =	swait.ge [sflag:s7], $0x80  }
0xb9: {  	[sflag:s7] =	ssyncset.done $0x0  }
0xba: {  	[sflag:s7] =	ssyncadd.s32 $0xFFFFFF80  }
0xbb: {  	v3 =	vld [tilespmem:$0x0];
	_ =	sdelay $0x4  }
0xbc: {  	v56 =	vshrl.u32 v3, $0x3  }
0xbd: {  	v4 =	vmul.u32 $0x30, v56  }
0xbe: {  	v3 =	vand.u32 $0x7, v3  }
0xbf: {  	v3 =	vor.u32 v3, v4  }
0xc0: {  	v4 =	vperm.xlane v3, v0;
	_ =	sdelay $0x1  }
0xc1: {  	v4 =	vadd.s32 v1, v4;
	_ =	sdelay $0x3  }
0xc2: {  	v3 =	vperm.xlane v3, v2  }
0xc3: {  	[tilespmem:s0], [sflag:$0x1] =	stream.indirect_vreg.gather [hbm4b:s3+s2], $0x80, v4, vm0, $0xb8;
	[tilespmem:$0x18080] =	vst v63  }
0xc4: {  	v3 =	vadd.s32 v1, v3  }
0xc5: {  	[tilespmem:s10], [sflag:$0x1] =	stream.indirect_vreg.gather [hbm4b:s4+s2], $0x80, v4, vm0, $0xb8;
	[tilespmem:$0x18080] =	vst v63  }
0xc6: {  	_ = 	snop  }
0xc7: {  	[tilespmem:s11], [sflag:$0x1] =	stream.indirect_vreg.gather [hbm4b:s5+s2], $0x80, v4, vm0, $0xb8;
	[tilespmem:$0x18080] =	vst v63  }
0xc8: {  	_ = 	snop  }
0xc9: {  	[tilespmem:s12], [sflag:$0x1] =	stream.indirect_vreg.gather [hbm4b:s3+s2], $0x80, v3, vm0, $0xb8;
	[tilespmem:$0x18080] =	vst v63  }
0xca: {  	_ = 	snop  }
0xcb: {  	[tilespmem:s13], [sflag:$0x1] =	stream.indirect_vreg.gather [hbm4b:s4+s2], $0x80, v3, vm0, $0xb8;
	[tilespmem:$0x18080] =	vst v63  }
0xcc: {  	_ = 	snop  }
0xcd: {  	[tilespmem:s14], [sflag:$0x1] =	stream.indirect_vreg.gather [hbm4b:s5+s2], $0x80, v3, vm0, $0xb8;
	[tilespmem:$0x18080] =	vst v63  }
0xce: {  	v3 =	vld [tilespmem:$0x10];
	_ =	sdelay $0x4  }
0xcf: {  	v57 =	vshrl.u32 v3, $0x3  }
0xd0: {  	v4 =	vmul.u32 $0x30, v57  }
0xd1: {  	v3 =	vand.u32 $0x7, v3  }
0xd2: {  	v3 =	vor.u32 v3, v4  }
0xd3: {  	v4 =	vperm.xlane v3, v0;
	_ =	sdelay $0x1  }
0xd4: {  	v4 =	vadd.s32 v1, v4;
	_ =	sdelay $0x3  }
0xd5: {  	v3 =	vperm.xlane v3, v2  }
0xd6: {  	[tilespmem:s15], [sflag:$0x1] =	stream.indirect_vreg.gather [hbm4b:s3+s2], $0x80, v4, vm0, $0xb8;
	[tilespmem:$0x18080] =	vst v63  }
0xd7: {  	v3 =	vadd.s32 v1, v3  }
0xd8: {  	[tilespmem:s16], [sflag:$0x1] =	stream.indirect_vreg.gather [hbm4b:s4+s2], $0x80, v4, vm0, $0xb8;
	[tilespmem:$0x18080] =	vst v63  }
0xd9: {  	_ = 	snop  }
0xda: {  	[tilespmem:s17], [sflag:$0x1] =	stream.indirect_vreg.gather [hbm4b:s5+s2], $0x80, v4, vm0, $0xb8;
	[tilespmem:$0x18080] =	vst v63  }
0xdb: {  	_ = 	snop  }
0xdc: {  	[tilespmem:s18], [sflag:$0x1] =	stream.indirect_vreg.gather [hbm4b:s3+s2], $0x80, v3, vm0, $0xb8;
	[tilespmem:$0x18080] =	vst v63  }
0xdd: {  	_ = 	snop  }
0xde: {  	[tilespmem:s19], [sflag:$0x1] =	stream.indirect_vreg.gather [hbm4b:s4+s2], $0x80, v3, vm0, $0xb8;
	[tilespmem:$0x18080] =	vst v63  }
0xdf: {  	_ = 	snop  }
0xe0: {  	[tilespmem:s20], [sflag:$0x1] =	stream.indirect_vreg.gather [hbm4b:s5+s2], $0x80, v3, vm0, $0xb8;
	[tilespmem:$0x18080] =	vst v63  }
0xe1: {  	v3 =	vld [tilespmem:$0x20];
	_ =	sdelay $0x4  }
0xe2: {  	v58 =	vshrl.u32 v3, $0x3  }
0xe3: {  	v4 =	vmul.u32 $0x30, v58  }
0xe4: {  	v3 =	vand.u32 $0x7, v3  }
0xe5: {  	v3 =	vor.u32 v3, v4  }
0xe6: {  	v4 =	vperm.xlane v3, v0;
	_ =	sdelay $0x1  }
0xe7: {  	v4 =	vadd.s32 v1, v4;
	_ =	sdelay $0x3  }
0xe8: {  	v3 =	vperm.xlane v3, v2  }
0xe9: {  	[tilespmem:s21], [sflag:$0x1] =	stream.indirect_vreg.gather [hbm4b:s3+s2], $0x80, v4, vm0, $0xb8;
	[tilespmem:$0x18080] =	vst v63  }
0xea: {  	v3 =	vadd.s32 v1, v3  }
0xeb: {  	[tilespmem:s22], [sflag:$0x1] =	stream.indirect_vreg.gather [hbm4b:s4+s2], $0x80, v4, vm0, $0xb8;
	[tilespmem:$0x18080] =	vst v63  }
0xec: {  	_ = 	snop  }
0xed: {  	[tilespmem:s23], [sflag:$0x1] =	stream.indirect_vreg.gather [hbm4b:s5+s2], $0x80, v4, vm0, $0xb8;
	[tilespmem:$0x18080] =	vst v63  }
0xee: {  	_ = 	snop  }
0xef: {  	[tilespmem:s24], [sflag:$0x1] =	stream.indirect_vreg.gather [hbm4b:s3+s2], $0x80, v3, vm0, $0xb8;
	[tilespmem:$0x18080] =	vst v63  }
0xf0: {  	_ = 	snop  }
0xf1: {  	[tilespmem:s25], [sflag:$0x1] =	stream.indirect_vreg.gather [hbm4b:s4+s2], $0x80, v3, vm0, $0xb8;
	[tilespmem:$0x18080] =	vst v63  }
0xf2: {  	_ = 	snop  }
0xf3: {  	[tilespmem:s26], [sflag:$0x1] =	stream.indirect_vreg.gather [hbm4b:s5+s2], $0x80, v3, vm0, $0xb8;
	[tilespmem:$0x18080] =	vst v63  }
0xf4: {  	v3 =	vld [tilespmem:$0x30];
	_ =	sdelay $0x4  }
0xf5: {  	v59 =	vshrl.u32 v3, $0x3  }
0xf6: {  	v4 =	vmul.u32 $0x30, v59  }
0xf7: {  	v3 =	vand.u32 $0x7, v3  }
0xf8: {  	v3 =	vor.u32 v3, v4  }
0xf9: {  	v4 =	vperm.xlane v3, v0;
	_ =	sdelay $0x1  }
0xfa: {  	v4 =	vadd.s32 v1, v4;
	_ =	sdelay $0x3  }
0xfb: {  	v3 =	vperm.xlane v3, v2  }
0xfc: {  	[tilespmem:s28], [sflag:$0x1] =	stream.indirect_vreg.gather [hbm4b:s3+s2], $0x80, v4, vm0, $0xb8;
	[tilespmem:$0x18080] =	vst v63  }
0xfd: {  	v3 =	vadd.s32 v1, v3  }
0xfe: {  	[tilespmem:s29], [sflag:$0x1] =	stream.indirect_vreg.gather [hbm4b:s4+s2], $0x80, v4, vm0, $0xb8;
	[tilespmem:$0x18080] =	vst v63  }
0xff: {  	_ = 	snop  }
0x100: {  	[tilespmem:s30], [sflag:$0x1] =	stream.indirect_vreg.gather [hbm4b:s5+s2], $0x80, v4, vm0, $0xb8;
	[tilespmem:$0x18080] =	vst v63  }
0x101: {  	_ = 	snop  }
0x102: {  	[tilespmem:s31], [sflag:$0x1] =	stream.indirect_vreg.gather [hbm4b:s3+s2], $0x80, v3, vm0, $0xb8;
	[tilespmem:$0x18080] =	vst v63  }
0x103: {  	_ = 	snop  }
0x104: {  	[tilespmem:s1], [sflag:$0x1] =	stream.indirect_vreg.gather [hbm4b:s4+s2], $0x80, v3, vm0, $0xb8;
	[tilespmem:$0x18080] =	vst v63  }
0x105: {  	s9 =	simm.s32 $0xB880  }
0x106: {  	[tilespmem:s9], [sflag:$0x1] =	stream.indirect_vreg.gather [hbm4b:s5+s2], $0x80, v3, vm0, $0xb8;
	[tilespmem:$0x18080] =	vst v63  }
0x107: {  	v3 =	vld [tilespmem:$0x40];
	_ =	sdelay $0x4  }
0x108: {  	v60 =	vshrl.u32 v3, $0x3  }
0x109: {  	v4 =	vmul.u32 $0x30, v60  }
0x10a: {  	v3 =	vand.u32 $0x7, v3  }
0x10b: {  	v3 =	vor.u32 v3, v4  }
0x10c: {  	v4 =	vperm.xlane v3, v0;
	_ =	sdelay $0x1  }
0x10d: {  	v4 =	vadd.s32 v1, v4;
	_ =	sdelay $0x3  }
0x10e: {  	s1 =	simm.s32 $0xC080;
	v3 =	vperm.xlane v3, v2  }
0x10f: {  	[tilespmem:s1], [sflag:$0x1] =	stream.indirect_vreg.gather [hbm4b:s3+s2], $0x80, v4, vm0, $0xb8;
	[tilespmem:$0x18080] =	vst v63  }
0x110: {  	s9 =	simm.s32 $0xC880;
	v3 =	vadd.s32 v1, v3  }
0x111: {  	[tilespmem:s9], [sflag:$0x1] =	stream.indirect_vreg.gather [hbm4b:s4+s2], $0x80, v4, vm0, $0xb8;
	[tilespmem:$0x18080] =	vst v63  }
0x112: {  	s1 =	simm.s32 $0xD080  }
0x113: {  	[tilespmem:s1], [sflag:$0x1] =	stream.indirect_vreg.gather [hbm4b:s5+s2], $0x80, v4, vm0, $0xb8;
	[tilespmem:$0x18080] =	vst v63  }
0x114: {  	s9 =	simm.s32 $0xD880  }
0x115: {  	[tilespmem:s9], [sflag:$0x1] =	stream.indirect_vreg.gather [hbm4b:s3+s2], $0x80, v3, vm0, $0xb8;
	[tilespmem:$0x18080] =	vst v63  }
0x116: {  	s1 =	simm.s32 $0xE080  }
0x117: {  	[tilespmem:s1], [sflag:$0x1] =	stream.indirect_vreg.gather [hbm4b:s4+s2], $0x80, v3, vm0, $0xb8;
	[tilespmem:$0x18080] =	vst v63  }
0x118: {  	s9 =	simm.s32 $0xE880  }
0x119: {  	[tilespmem:s9], [sflag:$0x1] =	stream.indirect_vreg.gather [hbm4b:s5+s2], $0x80, v3, vm0, $0xb8;
	[tilespmem:$0x18080] =	vst v63  }
0x11a: {  	v3 =	vld [tilespmem:$0x50];
	_ =	sdelay $0x4  }
0x11b: {  	v61 =	vshrl.u32 v3, $0x3  }
0x11c: {  	v4 =	vmul.u32 $0x30, v61  }
0x11d: {  	v3 =	vand.u32 $0x7, v3  }
0x11e: {  	v3 =	vor.u32 v3, v4  }
0x11f: {  	v4 =	vperm.xlane v3, v0;
	_ =	sdelay $0x1  }
0x120: {  	v4 =	vadd.s32 v1, v4;
	_ =	sdelay $0x3  }
0x121: {  	s1 =	simm.s32 $0xF080;
	v3 =	vperm.xlane v3, v2  }
0x122: {  	[tilespmem:s1], [sflag:$0x1] =	stream.indirect_vreg.gather [hbm4b:s3+s2], $0x80, v4, vm0, $0xb8;
	[tilespmem:$0x18080] =	vst v63  }
0x123: {  	s9 =	simm.s32 $0xF880;
	v3 =	vadd.s32 v1, v3  }
0x124: {  	[tilespmem:s9], [sflag:$0x1] =	stream.indirect_vreg.gather [hbm4b:s4+s2], $0x80, v4, vm0, $0xb8;
	[tilespmem:$0x18080] =	vst v63  }
0x125: {  	s1 =	simm.s32 $0x10080  }
0x126: {  	[tilespmem:s1], [sflag:$0x1] =	stream.indirect_vreg.gather [hbm4b:s5+s2], $0x80, v4, vm0, $0xb8;
	[tilespmem:$0x18080] =	vst v63  }
0x127: {  	s9 =	simm.s32 $0x10880  }
0x128: {  	[tilespmem:s9], [sflag:$0x1] =	stream.indirect_vreg.gather [hbm4b:s3+s2], $0x80, v3, vm0, $0xb8;
	[tilespmem:$0x18080] =	vst v63  }
0x129: {  	s1 =	simm.s32 $0x11080  }
0x12a: {  	[tilespmem:s1], [sflag:$0x1] =	stream.indirect_vreg.gather [hbm4b:s4+s2], $0x80, v3, vm0, $0xb8;
	[tilespmem:$0x18080] =	vst v63  }
0x12b: {  	s9 =	simm.s32 $0x11880  }
0x12c: {  	[tilespmem:s9], [sflag:$0x1] =	stream.indirect_vreg.gather [hbm4b:s5+s2], $0x80, v3, vm0, $0xb8;
	[tilespmem:$0x18080] =	vst v63  }
0x12d: {  	v3 =	vld [tilespmem:$0x60];
	_ =	sdelay $0x4  }
0x12e: {  	v62 =	vshrl.u32 v3, $0x3  }
0x12f: {  	v4 =	vmul.u32 $0x30, v62  }
0x130: {  	v3 =	vand.u32 $0x7, v3  }
0x131: {  	v3 =	vor.u32 v3, v4  }
0x132: {  	v4 =	vperm.xlane v3, v0;
	_ =	sdelay $0x1  }
0x133: {  	v4 =	vadd.s32 v1, v4;
	_ =	sdelay $0x3  }
0x134: {  	s1 =	simm.s32 $0x12080;
	v3 =	vperm.xlane v3, v2  }
0x135: {  	[tilespmem:s1], [sflag:$0x1] =	stream.indirect_vreg.gather [hbm4b:s3+s2], $0x80, v4, vm0, $0xb8;
	[tilespmem:$0x18080] =	vst v63  }
0x136: {  	s9 =	simm.s32 $0x12880;
	v3 =	vadd.s32 v1, v3  }
0x137: {  	[tilespmem:s9], [sflag:$0x1] =	stream.indirect_vreg.gather [hbm4b:s4+s2], $0x80, v4, vm0, $0xb8;
	[tilespmem:$0x18080] =	vst v63  }
0x138: {  	s1 =	simm.s32 $0x13080  }
0x139: {  	[tilespmem:s1], [sflag:$0x1] =	stream.indirect_vreg.gather [hbm4b:s5+s2], $0x80, v4, vm0, $0xb8;
	[tilespmem:$0x18080] =	vst v63  }
0x13a: {  	s9 =	simm.s32 $0x13880  }
0x13b: {  	[tilespmem:s9], [sflag:$0x1] =	stream.indirect_vreg.gather [hbm4b:s3+s2], $0x80, v3, vm0, $0xb8;
	[tilespmem:$0x18080] =	vst v63  }
0x13c: {  	s1 =	simm.s32 $0x14080  }
0x13d: {  	[tilespmem:s1], [sflag:$0x1] =	stream.indirect_vreg.gather [hbm4b:s4+s2], $0x80, v3, vm0, $0xb8;
	[tilespmem:$0x18080] =	vst v63  }
0x13e: {  	s9 =	simm.s32 $0x14880  }
0x13f: {  	[tilespmem:s9], [sflag:$0x1] =	stream.indirect_vreg.gather [hbm4b:s5+s2], $0x80, v3, vm0, $0xb8;
	[tilespmem:$0x18080] =	vst v63  }
0x140: {  	v3 =	vld [tilespmem:$0x70];
	_ =	sdelay $0x4  }
0x141: {  	v63 =	vshrl.u32 v3, $0x3  }
0x142: {  	v4 =	vmul.u32 $0x30, v63  }
0x143: {  	v3 =	vand.u32 $0x7, v3  }
0x144: {  	v3 =	vor.u32 v3, v4  }
0x145: {  	v4 =	vperm.xlane v3, v0;
	_ =	sdelay $0x1  }
0x146: {  	v4 =	vadd.s32 v1, v4;
	_ =	sdelay $0x3  }
0x147: {  	s1 =	simm.s32 $0x15080;
	v3 =	vperm.xlane v3, v2  }
0x148: {  	[tilespmem:s1], [sflag:$0x1] =	stream.indirect_vreg.gather [hbm4b:s3+s2], $0x80, v4, vm0, $0xb8;
	[tilespmem:$0x18080] =	vst v63  }
0x149: {  	s9 =	simm.s32 $0x15880;
	v3 =	vadd.s32 v1, v3  }
0x14a: {  	[tilespmem:s9], [sflag:$0x1] =	stream.indirect_vreg.gather [hbm4b:s4+s2], $0x80, v4, vm0, $0xb8;
	[tilespmem:$0x18080] =	vst v63  }
0x14b: {  	s1 =	simm.s32 $0x16080  }
0x14c: {  	[tilespmem:s1], [sflag:$0x1] =	stream.indirect_vreg.gather [hbm4b:s5+s2], $0x80, v4, vm0, $0xb8;
	[tilespmem:$0x18080] =	vst v63  }
0x14d: {  	s9 =	simm.s32 $0x16880  }
0x14e: {  	[tilespmem:s9], [sflag:$0x1] =	stream.indirect_vreg.gather [hbm4b:s3+s2], $0x80, v3, vm0, $0xb8;
	[tilespmem:$0x18080] =	vst v63  }
0x14f: {  	s1 =	simm.s32 $0x17080  }
0x150: {  	[tilespmem:s1], [sflag:$0x1] =	stream.indirect_vreg.gather [hbm4b:s4+s2], $0x80, v3, vm0, $0xb8;
	[tilespmem:$0x18080] =	vst v63  }
0x151: {  	s9 =	simm.s32 $0x17880  }
0x152: {  	[tilespmem:s9], [sflag:$0x1] =	stream.indirect_vreg.gather [hbm4b:s5+s2], $0x80, v3, vm0, $0xb8;
	[tilespmem:$0x18080] =	vst v63  }
0x153: {  	_ =	swait.ge [sflag:s8], $0x18000  }
0x154: {  	p0 =	sne.s32 s6, $0x1;
	s1 =	simm.s32 $0x80;
	[sflag:s8] =	ssyncset.done $0x0  }
.Ltmp0:
0x155: {  	s0 =	rddreg [dreg:$0x6];
	[sflag:s8] =	ssyncadd.s32 $0xFFFE8000;
	(pc) =	sbr.rel @p0 .LBB2_1-.Ltmp0, $4  }
0x156: {  	[hbm4b:s0+s2] =	stream.linear.scatter [tilespmem:s1], [sflag:$0x2], $0x18000, $0x38;
	[tilespmem:$0x18080] =	vst v63  }
0x157: {  	_ =	swait.ge [sflag:s7], $0x18000  }
0x158: {  	[sflag:s7] =	ssyncset.done $0x0  }
0x159: {  	s6 =	sadd.s32 $0xFFFFFFFF, s6;
	[sflag:s7] =	ssyncadd.s32 $0xFFFE8000  }
0x15a: {  	_ =	sfence.sel $0x180000  }
0x15b: {  	[bflag:$0x0] =	sbarrier.arrive $0xFFFF  }
0x15c: {  	_ =	strace $0x9000004A  }
0x15d: {  	s0 =	stileid.u32;
	[bflag:$0x2] =	sbarrier.arrive $0xFFFF  }
0x15e: {  	p0 =	sne.s32 s0, $0x0;
	s0 =	rddreg [dreg:$0x2]  }
0x15f: {  	s0 =	sadd.s32 @!p0 $0x100000, s0  }
0x160: {  	[sflag:s0] =	ssyncadd.tile.s32 @!p0 $0x1;
	_ =	shalt  }
.Lfunc_end2:
_tile_overlayer_lowered:
.L_overlay_start_2:
0x161: {  	(tag) =	ssettag $0x2  }
0x162: {  	s0 =	rddreg [dreg:$0x0];
	s2 =	stileid.u32  }
0x163: {  	s1 =	rddreg [dreg:$0x1];
	p0 =	sne.s32 s2, $0x0  }
0x164: {  	s3 =	rddreg [dreg:$0x2];
	[bflag:$0x3] =	sbarrier.arrive $0xFFFF;
	s2 =	simm.s32 @!p0 $0x1C02  }
0x165: {  	[timem:s3], [sflag:s2] =	dma.local @!p0 [hbm:s0], s1  }
0x166: {  	s0 =	simm.s32 @!p0 $0x2  }
0x167: {  	_ =	swait.ge @!p0 [sflag:s0], s1  }
0x168: {  	s1 =	ssub.s32 @!p0 $0x0, s1;
	[sflag:s0] =	ssyncset.done @!p0 $0x0  }
0x169: {  	[sflag:s0] =	ssyncadd.s32 @!p0 s1  }
0x16a: {  	[bflag:$0x3] =	sbarrier.arrive $0xFFFF  }
0x16b: {  	_ =	shalt  }

// kernel: kernel.7.cloned.1.call-start
scs
__scs_entry_jumppad:
0x0: {  	(pc) =	sbr.rel $0x88, $3  }
0x1: {  	(tag) =	ssettag $0x0;
	lr =	simm.s32 $0x1  }
0x2: {  	[smem:$0x3F9A] =	sst lr;
	_ =	strace $0xD0000000  }
0x3: {  	_ = 	snop  }
0x4: {  	_ = 	snop  }
0x5: {  	_ = 	snop  }
0x6: {  	_ = 	snop  }
0x7: {  	_ = 	snop  }
__scs_overlays_trampoline_lowered:
0x8: {  	[smem:$0x3FA9] =	sst s0  }
0x9: {  	[smem:$0x3FAA] =	sst s1  }
0xa: {  	[smem:$0x3FAB] =	sst s2  }
0xb: {  	[smem:$0x3FAC] =	sst s3  }
0xc: {  	[smem:$0x3FAD] =	sst s4  }
0xd: {  	[smem:$0x3FAE] =	sst s5  }
0xe: {  	[smem:$0x3FAF] =	sst s6  }
0xf: {  	[smem:$0x3FB0] =	sst s7  }
0x10: {  	[smem:$0x3FB1] =	sst s8  }
0x11: {  	[smem:$0x3FB2] =	sst s9;
	s0 =	simm.s32 @!p0 $0x0  }
0x12: {  	s1 =	sld [smem:$0x3F98];
	s0 =	simm.s32 @p0 $0x1  }
0x13: {  	[smem:$0x3FB3] =	sst s0;
	s0 =	simm.s32 @!p1 $0x0  }
0x14: {  	s2 =	sld [smem:$0x3F97];
	s0 =	simm.s32 @p1 $0x1  }
0x15: {  	[smem:$0x3FB4] =	sst s0;
	s0 =	simm.s32 @!p2 $0x0  }
0x16: {  	s3 =	sld [smem:$0x3FDB];
	s0 =	simm.s32 @p2 $0x1  }
0x17: {  	s4 =	simm.s32 $0x1BF5;
	[smem:$0x3FB6] =	sst s0  }
0x18: {  	s0 =	sld [smem:$0x3F99];
	_ =	swait.ge [sflag:s4], $0x0  }
0x19: {  	s7 =	sld [smem:$0x3F9A]  }
0x1a: {  	s8 =	sadd.s32 $0xFFFFE003, lr  }
0x1b: {  	s9 =	sadd.s32 $0xFFFFFEF7, lr;
	s5 =	simm.s32 $0xFFFFFFFF;
	p2 =	slt.u32 s8, $0xFFFFF086  }
0x1c: {  	p1 =	slt.u32 s9, $0xF7A;
	s5 =	simm.s32 @!p2 $0x0  }
0x1d: {  	s5 =	simm.s32 @p1 $0x1;
	p0 =	seq.s32 s7, s2  }
0x1e: {  	s7 =	smul.u32 @!p0 $0xF7A, s2;
	p2 =	seq.s32 @!p0 s5, $0x0  }
0x1f: {  	s9 =	smul.u32 $0xF7A, s1;
	s8 =	simm.s32 @!p0 $0x1BF5;
	p2 =	por !p2, p0  }
0x20: {  	[sflag:s8] =	ssyncset.s32 @!p0 $0xFFFFF086;
	s6 =	sadd.s32 @!p0 s3, s7;
	s7 =	simm.s32 @!p0 $0x108  }
0x21: {  	s3 =	sadd.s32 s3, s9;
	s6 =	sadd.s32 @!p0 $0x88, s6;
	s7 =	simm.s32 @p2 $0x1082  }
0x22: {  	[simem:s7], [sflag:s8] =	dma.local @!p0 [hbm:s6], $0xF7A  }
0x23: {  	s9 =	sor.u32 $0xD0000000, s2;
	s6 =	simm.s32 $0x108;
	_ =	swait.ge @!p0 [sflag:s8], $0x0  }
0x24: {  	s3 =	sadd.s32 $0x88, s3;
	s6 =	simm.s32 @!p1 $0x1082;
	[sflag:s4] =	ssyncset.s32 $0xFFFFF086  }
0x25: {  	[simem:s6], [sflag:s4] =	dma.local [hbm:s3], $0xF7A  }
0x26: {  	[smem:$0x3F9A] =	sst s1;
	(tag) =	ssettag s2;
	_ =	strace s9  }
0x27: {  	s1 =	sld [smem:$0x3FAA]  }
0x28: {  	s2 =	sld [smem:$0x3FAB]  }
0x29: {  	s4 =	sld [smem:$0x3FAD]  }
0x2a: {  	p0 =	seq.s32 s5, $0x0;
	s5 =	sld [smem:$0x3FAE]  }
0x2b: {  	s6 =	sld [smem:$0x3FAF]  }
0x2c: {  	s7 =	sld [smem:$0x3FB0]  }
0x2d: {  	s3 =	simm.s32 $0x108;
	s8 =	sld [smem:$0x3FB1]  }
0x2e: {  	s3 =	simm.s32 @!p0 $0x1082;
	s9 =	sld [smem:$0x3FB2]  }
0x2f: {  	lr =	sadd.s32 s0, s3;
	s0 =	sld [smem:$0x3FA9]  }
0x30: {  	s3 =	sld [smem:$0x3FAC]  }
0x31: {  	[smem:$0x3FB5] =	sst s10  }
0x32: {  	s10 =	sld [smem:$0x3FB3];
	_ =	sdelay $0x3  }
0x33: {  	p0 =	seq.s32 s10, $0x1;
	s10 =	sld [smem:$0x3FB5];
	_ =	sdelay $0x3  }
0x34: {  	[smem:$0x3FB5] =	sst s10  }
0x35: {  	s10 =	sld [smem:$0x3FB4];
	_ =	sdelay $0x3  }
0x36: {  	p1 =	seq.s32 s10, $0x1;
	s10 =	sld [smem:$0x3FB5];
	_ =	sdelay $0x3  }
0x37: {  	[smem:$0x3FB5] =	sst s10  }
0x38: {  	s10 =	sld [smem:$0x3FB6]  }
0x39: {  	_ = 	snop;
	(pc) =	sbr.ind lr, $3  }
0x3a: {  	_ = 	snop  }
0x3b: {  	_ = 	snop  }
0x3c: {  	p2 =	seq.s32 s10, $0x1;
	s10 =	sld [smem:$0x3FB5]  }
0x3d: {  	_ =	shalt  }
0x3e: {  	_ =	shalt  }
0x3f: {  	_ =	shalt  }
0x40: {  	_ =	shalt  }
0x41: {  	_ =	shalt  }
0x42: {  	_ =	shalt  }
0x43: {  	_ =	shalt  }
0x44: {  	_ =	shalt  }
0x45: {  	_ =	shalt  }
0x46: {  	_ =	shalt  }
0x47: {  	_ =	shalt  }
0x48: {  	_ =	shalt  }
0x49: {  	_ =	shalt  }
0x4a: {  	_ =	shalt  }
0x4b: {  	_ =	shalt  }
0x4c: {  	_ =	shalt  }
0x4d: {  	_ =	shalt  }
0x4e: {  	_ =	shalt  }
0x4f: {  	_ =	shalt  }
0x50: {  	_ =	shalt  }
0x51: {  	_ =	shalt  }
0x52: {  	_ =	shalt  }
0x53: {  	_ =	shalt  }
0x54: {  	_ =	shalt  }
0x55: {  	_ =	shalt  }
0x56: {  	_ =	shalt  }
0x57: {  	_ =	shalt  }
0x58: {  	_ =	shalt  }
0x59: {  	_ =	shalt  }
0x5a: {  	_ =	shalt  }
0x5b: {  	_ =	shalt  }
0x5c: {  	_ =	shalt  }
0x5d: {  	_ =	shalt  }
0x5e: {  	_ =	shalt  }
0x5f: {  	_ =	shalt  }
0x60: {  	_ =	shalt  }
0x61: {  	_ =	shalt  }
0x62: {  	_ =	shalt  }
0x63: {  	_ =	shalt  }
0x64: {  	_ =	shalt  }
0x65: {  	_ =	shalt  }
0x66: {  	_ =	shalt  }
0x67: {  	_ =	shalt  }
0x68: {  	_ =	shalt  }
0x69: {  	_ =	shalt  }
0x6a: {  	_ =	shalt  }
0x6b: {  	_ =	shalt  }
0x6c: {  	_ =	shalt  }
0x6d: {  	_ =	shalt  }
0x6e: {  	_ =	shalt  }
0x6f: {  	_ =	shalt  }
0x70: {  	_ =	shalt  }
0x71: {  	_ =	shalt  }
0x72: {  	_ =	shalt  }
0x73: {  	_ =	shalt  }
0x74: {  	_ =	shalt  }
0x75: {  	_ =	shalt  }
0x76: {  	_ =	shalt  }
0x77: {  	_ =	shalt  }
0x78: {  	_ =	shalt  }
0x79: {  	_ =	shalt  }
0x7a: {  	_ =	shalt  }
0x7b: {  	_ =	shalt  }
0x7c: {  	_ =	shalt  }
0x7d: {  	_ =	shalt  }
0x7e: {  	_ =	shalt  }
0x7f: {  	_ =	shalt  }
0x80: {  	_ =	shalt  }
0x81: {  	_ =	shalt  }
0x82: {  	_ =	shalt  }
0x83: {  	_ =	shalt  }
0x84: {  	_ =	shalt  }
0x85: {  	_ =	shalt  }
0x86: {  	_ =	shalt  }
0x87: {  	_ =	shalt  }
.Lfunc_end0:
.L_simem_size_0:
called_computation_lowered:
.L_overlay_start_0:
0x88: {  	s2 =	sld [smem:$0x3FD9]  }
0x89: {  	s3 =	sld [smem:$0x3FFE];
	_ =	sdelay $0x1  }
0x8a: {  	s1 =	srdreg.scid  }
0x8b: {  	s0 =	sand.u32 $0x1, s1  }
0x8c: {  	s17 =	sshll.u32 s0, $0xA;
	s2 =	sadd.s32 s3, s2  }
0x8d: {  	s2 =	sadd.s32 s2, s17  }
0x8e: {  	[smem:$0x3FC1] =	sst s2  }
0x8f: {  	_ = 	snop  }
0x90: {  	s2 =	sld [smem:$0x3FC9];
	(tm) =	ssettm $0x1  }
0x91: {  	s18 =	sld [smem:$0x3FFB];
	_ =	sdelay $0x3  }
0x92: {  	_ =	strace s18  }
0x93: {  	s3 =	sld [smem:$0x3FFC];
	_ =	sdelay $0x3  }
0x94: {  	_ =	strace s3  }
0x95: {  	s3 =	sld [smem:$0x3FFD];
	_ =	sdelay $0x3  }
0x96: {  	_ =	strace s3  }
0x97: {  	_ =	strace $0x8FFFFFFF  }
0x98: {  	s19 =	sld [smem:$0x3FDB];
	_ =	sdelay $0x1  }
0x99: {  	s4 =	simm.s32 $_scs_section_size  }
0x9a: {  	s5 =	simm.s32 $_size__tile_overlayer_lowered;
	s6 =	simm.s32 $_tile_overlayer_lowered  }
0x9b: {  	s22 =	simm.s32 $0x1BFF;
	s21 =	sshll.u32 s6, $0x1;
	s3 =	sadd.s32 s4, s19  }
0x9c: {  	s7 =	simm.s32 $0x0;
	s20 =	sshll.u32 s5, $0x1;
	s5 =	sadd.s32 s21, s3  }
0x9d: {  	[timem:s7], [sflag:s22] =	dma.local [hbm:s5], s20  }
0x9e: {  	_ =	swait.ge [sflag:s22], s20  }
0x9f: {  	s4 =	ssub.s32 $0x0, s20;
	[sflag:s22] =	ssyncset.done $0x0  }
0xa0: {  	[sflag:s22] =	ssyncadd.s32 s4;
	_ =	sdelay $0x1  }
0xa1: {  	s23 =	simm.s32 $0x1B8B  }
0xa2: {  	_ =	swait.ge [sflag:s23], $0x1  }
0xa3: {  	[sflag:s23] =	ssyncset.done $0x0  }
0xa4: {  	s25 =	simm.s32 $0x1B8E;
	s24 =	sld [smem:$0x3FFE];
	[sflag:s23] =	ssyncadd.s32 $0xFFFFFFFF  }
0xa5: {  	s26 =	simm.s32 $execute0_lowered;
	[smem:$0x3FD2] =	sst s25  }
0xa6: {  	s5 =	sshll.u32 s26, $0x1;
	_ =	strace $0x80000046;
	[dreg:$0x1] =	wrdreg $0xFFFFFFFF  }
0xa7: {  	s28 =	simm.s32 $_size_execute0_lowered;
	s3 =	sadd.s32 s3, s5;
	[dreg:$0x0] =	wrdreg $0x0  }
0xa8: {  	s5 =	sshll.u32 s28, $0x1;
	[dreg:$0x2] =	wrdreg s3  }
0xa9: {  	[dreg:$0x3] =	wrdreg s5  }
0xaa: {  	[dreg:$0x4] =	wrdreg $0xC0  }
0xab: {  	_ =	task [dreg:s7], $0x5FFFF  }
0xac: {  	[dreg:$0x1] =	wrdreg $0xFFFFFFFF  }
0xad: {  	[dreg:$0x0] =	wrdreg $0x60  }
0xae: {  	[dreg:$0x2] =	wrdreg s2  }
0xaf: {  	[dreg:$0x3] =	wrdreg s24  }
0xb0: {  	[dreg:$0x4] =	wrdreg $0x9  }
0xb1: {  	_ =	task.clear_ibuf [dreg:s7], $0x5FFFF;
	_ =	strace $0x90000046  }
0xb2: {  	s29 =	simm.s32 $0x9;
	_ =	strace $0x80000048  }
0xb3: {  	_ =	swait.ge [sflag:s29], $0x1  }
0xb4: {  	[sflag:s29] =	ssyncadd.s32 $0xFFFFFFFF  }
0xb5: {  	_ =	strace $0x90000048  }
0xb6: {  	_ =	sfence  }
0xb7: {  	s30 =	sld [smem:$0x0];
	_ =	sdelay $0x2  }
0xb8: {  	s31 =	sshll.u32 s1, $0xD;
	s1 =	sshrl.u32 s1, $0x2  }
0xb9: {  	s3 =	sand.u32 $0x4000, s31;
	s1 =	sadd.s32 s1, s30  }
0xba: {  	s0 =	sor.u32 s3, s0;
	s1 =	sshll.u32 s1, $0x11  }
0xbb: {  	s0 =	sor.u32 s1, s0  }
0xbc: {  	s0 =	sadd.s32 $0x8F2B, s0  }
0xbd: {  	[sflag:s0] =	ssyncadd.remote.s32 $0x1  }
0xbe: {  	_ =	sfence.sel $0xFFFF  }
0xbf: {  	[dreg:$0x0] =	wrdreg $0xFFFFFFFF;
	(pc) =	sbr.abs _section_cstart, $3  }
0xc0: {  	[dreg:$0x1] =	wrdreg $0xFFFFFFFF  }
0xc1: {  	_ =	task.clear_ibuf [dreg:s7], $0x2FFFF;
	_ =	strace $0x9FFFFFFF  }
0xc2: {  	(tm) =	ssettm $0x7FFFFFFF  }
0xc3: {  	_ =	shalt  }
tec
execute0_lowered:
.L_overlay_start_1:
0x0: {  	(tag) =	ssettag $0x1  }
0x1: {  	s0 =	rddreg [dreg:$0x0]  }
0x2: {  	s1 =	rddreg [dreg:$0x1];
	s2 =	srdreg.scid  }
0x3: {  	s3 =	stileid.u32;
	s26 =	simm.s32 $0x80;
	s12 =	simm.s32 $0x1900  }
0x4: {  	s13 =	simm.s32 $0x2100;
	s14 =	simm.s32 $0x2900;
	s15 =	simm.s32 $0x3100  }
0x5: {  	s16 =	simm.s32 $0x3900;
	s17 =	simm.s32 $0x4100;
	s18 =	simm.s32 $0x4900  }
0x6: {  	s19 =	simm.s32 $0x5100;
	s20 =	simm.s32 $0x5900;
	s21 =	simm.s32 $0x6100  }
0x7: {  	s22 =	simm.s32 $0x6900;
	s23 =	simm.s32 $0x7100;
	s24 =	simm.s32 $0x7900  }
0x8: {  	s28 =	simm.s32 $0x9100;
	s29 =	simm.s32 $0x9900;
	s30 =	simm.s32 $0xA100  }
0x9: {  	s31 =	simm.s32 $0xA900;
	s9 =	simm.s32 $0xC100;
	s4 =	sand.u32 $0x1, s2  }
0xa: {  	s2 =	simm.s32 $0x0;
	s3 =	sshll.u32 s3, $0x5;
	s5 =	sshll.u32 s4, $0x4  }
0xb: {  	[smem:$0x7FF] =	sst s2;
	s4 =	ssub.s32 $0x2, s4;
	s5 =	sor.u32 s5, s3  }
0xc: {  	_ =	strace $0x80000047;
	s3 =	sadd.s32 $0x2E00, s1;
	s8 =	sshrl.u32 s4, $0x1  }
0xd: {  	[dreg:$0x6] =	wrdreg s26;
	s26 =	simm.s32 $0x8900;
	s6 =	sadd.s32 s5, s1  }
0xe: {  	s5 =	smul.u32 $0x300, s5;
	s25 =	ssub.s32 s4, s8;
	s7 =	sadd.s32 $0x2C00, s6  }
0xf: {  	s4 =	sadd.s32 $0x2F00, s1;
	s6 =	sadd.s32 $0x2A00, s6;
	[dreg:$0x3] =	wrdreg s7  }
0x10: {  	v2 =	vlaneseq.u32;
	s8 =	simm.s32 $0xB900;
	[dreg:$0x4] =	wrdreg s6;
	s0 =	sadd.s32 s0, s5  }
0x11: {  	vm0 =	vmmov $0xffff;
	v1 =	vshrl.u32 v2, $0x3;
	s5 =	sadd.s32 $0x3000, s1;
	s6 =	smax.u32 s25, $0x1;
	s7 =	simm.s32 $0x3  }
0x12: {  	v0 =	vand.u32 $0x7, v2;
	v2 =	vor.u32 $0x8, v2;
	v1 =	vmul.u32 $0x8, v1;
	s1 =	simm.s32 $0x100;
	s25 =	simm.s32 $0x8100;
	[dreg:$0x5] =	wrdreg s0  }
.LBB2_1:
0x13: {  	s10 =	rddreg [dreg:$0x3]  }
0x14: {  	[tilespmem:s2], [sflag:$0x3] =	stream.linear.gather [hbm4b:s10+s2], $0x80, $0x38;
	[tilespmem:$0x18100] =	vst v63  }
0x15: {  	_ =	swait.ge [sflag:s7], $0x80  }
0x16: {  	s0 =	rddreg [dreg:$0x4];
	[sflag:s7] =	ssyncset.done $0x0  }
0x17: {  	s11 =	rddreg [dreg:$0x6];
	[sflag:s7] =	ssyncadd.s32 $0xFFFFFF80  }
0x18: {  	[tilespmem:s11], [sflag:$0x3] =	stream.linear.gather [hbm4b:s0+s2], $0x80, $0x38;
	[tilespmem:$0x18100] =	vst v63  }
0x19: {  	_ =	swait.ge [sflag:s7], $0x80  }
0x1a: {  	[sflag:s7] =	ssyncset.done $0x0  }
0x1b: {  	s0 =	rddreg [dreg:$0x5];
	[sflag:s7] =	ssyncadd.s32 $0xFFFFFF80  }
0x1c: {  	[tilespmem:s1], [sflag:$0x3] =	stream.linear.gather [hbm4b:s0+s2], $0x18000, $0x38;
	[tilespmem:$0x18100] =	vst v63  }
0x1d: {  	_ =	swait.ge [sflag:s7], $0x18000  }
0x1e: {  	[sflag:s7] =	ssyncset.done $0x0  }
0x1f: {  	[sflag:s7] =	ssyncadd.s32 $0xFFFE8000  }
0x20: {  	v3 =	vld [tilespmem:$0x0];
	_ =	sdelay $0x4  }
0x21: {  	v4 =	vshrl.u32 v3, $0x3  }
0x22: {  	v4 =	vmul.u32 $0x30, v4  }
0x23: {  	v3 =	vand.u32 $0x7, v3  }
0x24: {  	v3 =	vor.u32 v3, v4  }
0x25: {  	v4 =	vperm.xlane v3, v0;
	_ =	sdelay $0x1  }
0x26: {  	v4 =	vadd.s32 v1, v4;
	_ =	sdelay $0x3  }
0x27: {  	v3 =	vperm.xlane v3, v2  }
0x28: {  	[hbm4b:s3+s2] =	stream.indirect_vreg.scatter [tilespmem:s1], [sflag:$0x1], $0x80, v4, vm0, $0xb8;
	[tilespmem:$0x18100] =	vst v63  }
0x29: {  	s10 =	simm.s32 $0x900;
	v3 =	vadd.s32 v1, v3  }
0x2a: {  	[hbm4b:s4+s2] =	stream.indirect_vreg.scatter [tilespmem:s10], [sflag:$0x1], $0x80, v4, vm0, $0xb8;
	[tilespmem:$0x18100] =	vst v63  }
0x2b: {  	s11 =	simm.s32 $0x1100  }
0x2c: {  	[hbm4b:s5+s2] =	stream.indirect_vreg.scatter [tilespmem:s11], [sflag:$0x1], $0x80, v4, vm0, $0xb8;
	[tilespmem:$0x18100] =	vst v63  }
0x2d: {  	_ = 	snop  }
0x2e: {  	[hbm4b:s3+s2] =	stream.indirect_vreg.scatter [tilespmem:s12], [sflag:$0x1], $0x80, v3, vm0, $0xb8;
	[tilespmem:$0x18100] =	vst v63  }
0x2f: {  	_ = 	snop  }
0x30: {  	[hbm4b:s4+s2] =	stream.indirect_vreg.scatter [tilespmem:s13], [sflag:$0x1], $0x80, v3, vm0, $0xb8;
	[tilespmem:$0x18100] =	vst v63  }
0x31: {  	_ = 	snop  }
0x32: {  	[hbm4b:s5+s2] =	stream.indirect_vreg.scatter [tilespmem:s14], [sflag:$0x1], $0x80, v3, vm0, $0xb8;
	[tilespmem:$0x18100] =	vst v63  }
0x33: {  	v3 =	vld [tilespmem:$0x10];
	_ =	sdelay $0x4  }
0x34: {  	v49 =	vshrl.u32 v3, $0x3  }
0x35: {  	v4 =	vmul.u32 $0x30, v49  }
0x36: {  	v3 =	vand.u32 $0x7, v3  }
0x37: {  	v3 =	vor.u32 v3, v4  }
0x38: {  	v4 =	vperm.xlane v3, v0;
	_ =	sdelay $0x1  }
0x39: {  	v4 =	vadd.s32 v1, v4;
	_ =	sdelay $0x3  }
0x3a: {  	v3 =	vperm.xlane v3, v2  }
0x3b: {  	[hbm4b:s3+s2] =	stream.indirect_vreg.scatter [tilespmem:s15], [sflag:$0x1], $0x80, v4, vm0, $0xb8;
	[tilespmem:$0x18100] =	vst v63  }
0x3c: {  	v3 =	vadd.s32 v1, v3  }
0x3d: {  	[hbm4b:s4+s2] =	stream.indirect_vreg.scatter [tilespmem:s16], [sflag:$0x1], $0x80, v4, vm0, $0xb8;
	[tilespmem:$0x18100] =	vst v63  }
0x3e: {  	_ = 	snop  }
0x3f: {  	[hbm4b:s5+s2] =	stream.indirect_vreg.scatter [tilespmem:s17], [sflag:$0x1], $0x80, v4, vm0, $0xb8;
	[tilespmem:$0x18100] =	vst v63  }
0x40: {  	_ = 	snop  }
0x41: {  	[hbm4b:s3+s2] =	stream.indirect_vreg.scatter [tilespmem:s18], [sflag:$0x1], $0x80, v3, vm0, $0xb8;
	[tilespmem:$0x18100] =	vst v63  }
0x42: {  	_ = 	snop  }
0x43: {  	[hbm4b:s4+s2] =	stream.indirect_vreg.scatter [tilespmem:s19], [sflag:$0x1], $0x80, v3, vm0, $0xb8;
	[tilespmem:$0x18100] =	vst v63  }
0x44: {  	_ = 	snop  }
0x45: {  	[hbm4b:s5+s2] =	stream.indirect_vreg.scatter [tilespmem:s20], [sflag:$0x1], $0x80, v3, vm0, $0xb8;
	[tilespmem:$0x18100] =	vst v63  }
0x46: {  	v3 =	vld [tilespmem:$0x20];
	_ =	sdelay $0x4  }
0x47: {  	v50 =	vshrl.u32 v3, $0x3  }
0x48: {  	v4 =	vmul.u32 $0x30, v50  }
0x49: {  	v3 =	vand.u32 $0x7, v3  }
0x4a: {  	v3 =	vor.u32 v3, v4  }
0x4b: {  	v4 =	vperm.xlane v3, v0;
	_ =	sdelay $0x1  }
0x4c: {  	v4 =	vadd.s32 v1, v4;
	_ =	sdelay $0x3  }
0x4d: {  	v3 =	vperm.xlane v3, v2  }
0x4e: {  	[hbm4b:s3+s2] =	stream.indirect_vreg.scatter [tilespmem:s21], [sflag:$0x1], $0x80, v4, vm0, $0xb8;
	[tilespmem:$0x18100] =	vst v63  }
0x4f: {  	v3 =	vadd.s32 v1, v3  }
0x50: {  	[hbm4b:s4+s2] =	stream.indirect_vreg.scatter [tilespmem:s22], [sflag:$0x1], $0x80, v4, vm0, $0xb8;
	[tilespmem:$0x18100] =	vst v63  }
0x51: {  	_ = 	snop  }
0x52: {  	[hbm4b:s5+s2] =	stream.indirect_vreg.scatter [tilespmem:s23], [sflag:$0x1], $0x80, v4, vm0, $0xb8;
	[tilespmem:$0x18100] =	vst v63  }
0x53: {  	_ = 	snop  }
0x54: {  	[hbm4b:s3+s2] =	stream.indirect_vreg.scatter [tilespmem:s24], [sflag:$0x1], $0x80, v3, vm0, $0xb8;
	[tilespmem:$0x18100] =	vst v63  }
0x55: {  	_ = 	snop  }
0x56: {  	[hbm4b:s4+s2] =	stream.indirect_vreg.scatter [tilespmem:s25], [sflag:$0x1], $0x80, v3, vm0, $0xb8;
	[tilespmem:$0x18100] =	vst v63  }
0x57: {  	_ = 	snop  }
0x58: {  	[hbm4b:s5+s2] =	stream.indirect_vreg.scatter [tilespmem:s26], [sflag:$0x1], $0x80, v3, vm0, $0xb8;
	[tilespmem:$0x18100] =	vst v63  }
0x59: {  	v3 =	vld [tilespmem:$0x30];
	_ =	sdelay $0x4  }
0x5a: {  	v51 =	vshrl.u32 v3, $0x3  }
0x5b: {  	v4 =	vmul.u32 $0x30, v51  }
0x5c: {  	v3 =	vand.u32 $0x7, v3  }
0x5d: {  	v3 =	vor.u32 v3, v4  }
0x5e: {  	v4 =	vperm.xlane v3, v0;
	_ =	sdelay $0x1  }
0x5f: {  	v4 =	vadd.s32 v1, v4;
	_ =	sdelay $0x3  }
0x60: {  	v3 =	vperm.xlane v3, v2  }
0x61: {  	[hbm4b:s3+s2] =	stream.indirect_vreg.scatter [tilespmem:s28], [sflag:$0x1], $0x80, v4, vm0, $0xb8;
	[tilespmem:$0x18100] =	vst v63  }
0x62: {  	v3 =	vadd.s32 v1, v3  }
0x63: {  	[hbm4b:s4+s2] =	stream.indirect_vreg.scatter [tilespmem:s29], [sflag:$0x1], $0x80, v4, vm0, $0xb8;
	[tilespmem:$0x18100] =	vst v63  }
0x64: {  	_ = 	snop  }
0x65: {  	[hbm4b:s5+s2] =	stream.indirect_vreg.scatter [tilespmem:s30], [sflag:$0x1], $0x80, v4, vm0, $0xb8;
	[tilespmem:$0x18100] =	vst v63  }
0x66: {  	_ = 	snop  }
0x67: {  	[hbm4b:s3+s2] =	stream.indirect_vreg.scatter [tilespmem:s31], [sflag:$0x1], $0x80, v3, vm0, $0xb8;
	[tilespmem:$0x18100] =	vst v63  }
0x68: {  	s0 =	simm.s32 $0xB100  }
0x69: {  	[hbm4b:s4+s2] =	stream.indirect_vreg.scatter [tilespmem:s0], [sflag:$0x1], $0x80, v3, vm0, $0xb8;
	[tilespmem:$0x18100] =	vst v63  }
0x6a: {  	_ = 	snop  }
0x6b: {  	[hbm4b:s5+s2] =	stream.indirect_vreg.scatter [tilespmem:s8], [sflag:$0x1], $0x80, v3, vm0, $0xb8;
	[tilespmem:$0x18100] =	vst v63  }
0x6c: {  	v3 =	vld [tilespmem:$0x40];
	_ =	sdelay $0x4  }
0x6d: {  	v52 =	vshrl.u32 v3, $0x3  }
0x6e: {  	v4 =	vmul.u32 $0x30, v52  }
0x6f: {  	v3 =	vand.u32 $0x7, v3  }
0x70: {  	v3 =	vor.u32 v3, v4  }
0x71: {  	v4 =	vperm.xlane v3, v0;
	_ =	sdelay $0x1  }
0x72: {  	v4 =	vadd.s32 v1, v4;
	_ =	sdelay $0x3  }
0x73: {  	v3 =	vperm.xlane v3, v2  }
0x74: {  	[hbm4b:s3+s2] =	stream.indirect_vreg.scatter [tilespmem:s9], [sflag:$0x1], $0x80, v4, vm0, $0xb8;
	[tilespmem:$0x18100] =	vst v63  }
0x75: {  	s0 =	simm.s32 $0xC900;
	v3 =	vadd.s32 v1, v3  }
0x76: {  	[hbm4b:s4+s2] =	stream.indirect_vreg.scatter [tilespmem:s0], [sflag:$0x1], $0x80, v4, vm0, $0xb8;
	[tilespmem:$0x18100] =	vst v63  }
0x77: {  	s0 =	simm.s32 $0xD100  }
0x78: {  	[hbm4b:s5+s2] =	stream.indirect_vreg.scatter [tilespmem:s0], [sflag:$0x1], $0x80, v4, vm0, $0xb8;
	[tilespmem:$0x18100] =	vst v63  }
0x79: {  	s0 =	simm.s32 $0xD900  }
0x7a: {  	[hbm4b:s3+s2] =	stream.indirect_vreg.scatter [tilespmem:s0], [sflag:$0x1], $0x80, v3, vm0, $0xb8;
	[tilespmem:$0x18100] =	vst v63  }
0x7b: {  	s0 =	simm.s32 $0xE100  }
0x7c: {  	[hbm4b:s4+s2] =	stream.indirect_vreg.scatter [tilespmem:s0], [sflag:$0x1], $0x80, v3, vm0, $0xb8;
	[tilespmem:$0x18100] =	vst v63  }
0x7d: {  	s0 =	simm.s32 $0xE900  }
0x7e: {  	[hbm4b:s5+s2] =	stream.indirect_vreg.scatter [tilespmem:s0], [sflag:$0x1], $0x80, v3, vm0, $0xb8;
	[tilespmem:$0x18100] =	vst v63  }
0x7f: {  	v3 =	vld [tilespmem:$0x50];
	_ =	sdelay $0x4  }
0x80: {  	v53 =	vshrl.u32 v3, $0x3  }
0x81: {  	v4 =	vmul.u32 $0x30, v53  }
0x82: {  	v3 =	vand.u32 $0x7, v3  }
0x83: {  	v3 =	vor.u32 v3, v4  }
0x84: {  	v4 =	vperm.xlane v3, v0;
	_ =	sdelay $0x1  }
0x85: {  	v4 =	vadd.s32 v1, v4;
	_ =	sdelay $0x3  }
0x86: {  	s0 =	simm.s32 $0xF100;
	v3 =	vperm.xlane v3, v2  }
0x87: {  	[hbm4b:s3+s2] =	stream.indirect_vreg.scatter [tilespmem:s0], [sflag:$0x1], $0x80, v4, vm0, $0xb8;
	[tilespmem:$0x18100] =	vst v63  }
0x88: {  	v3 =	vadd.s32 v1, v3;
	s0 =	simm.s32 $0xF900  }
0x89: {  	[hbm4b:s4+s2] =	stream.indirect_vreg.scatter [tilespmem:s0], [sflag:$0x1], $0x80, v4, vm0, $0xb8;
	[tilespmem:$0x18100] =	vst v63  }
0x8a: {  	s0 =	simm.s32 $0x10100  }
0x8b: {  	[hbm4b:s5+s2] =	stream.indirect_vreg.scatter [tilespmem:s0], [sflag:$0x1], $0x80, v4, vm0, $0xb8;
	[tilespmem:$0x18100] =	vst v63  }
0x8c: {  	s0 =	simm.s32 $0x10900  }
0x8d: {  	[hbm4b:s3+s2] =	stream.indirect_vreg.scatter [tilespmem:s0], [sflag:$0x1], $0x80, v3, vm0, $0xb8;
	[tilespmem:$0x18100] =	vst v63  }
0x8e: {  	s0 =	simm.s32 $0x11100  }
0x8f: {  	[hbm4b:s4+s2] =	stream.indirect_vreg.scatter [tilespmem:s0], [sflag:$0x1], $0x80, v3, vm0, $0xb8;
	[tilespmem:$0x18100] =	vst v63  }
0x90: {  	s0 =	simm.s32 $0x11900  }
0x91: {  	[hbm4b:s5+s2] =	stream.indirect_vreg.scatter [tilespmem:s0], [sflag:$0x1], $0x80, v3, vm0, $0xb8;
	[tilespmem:$0x18100] =	vst v63  }
0x92: {  	v3 =	vld [tilespmem:$0x60];
	_ =	sdelay $0x4  }
0x93: {  	v54 =	vshrl.u32 v3, $0x3  }
0x94: {  	v4 =	vmul.u32 $0x30, v54  }
0x95: {  	v3 =	vand.u32 $0x7, v3  }
0x96: {  	v3 =	vor.u32 v3, v4  }
0x97: {  	v4 =	vperm.xlane v3, v0;
	_ =	sdelay $0x1  }
0x98: {  	v4 =	vadd.s32 v1, v4;
	_ =	sdelay $0x3  }
0x99: {  	s0 =	simm.s32 $0x12100;
	v3 =	vperm.xlane v3, v2  }
0x9a: {  	[hbm4b:s3+s2] =	stream.indirect_vreg.scatter [tilespmem:s0], [sflag:$0x1], $0x80, v4, vm0, $0xb8;
	[tilespmem:$0x18100] =	vst v63  }
0x9b: {  	v3 =	vadd.s32 v1, v3;
	s0 =	simm.s32 $0x12900  }
0x9c: {  	[hbm4b:s4+s2] =	stream.indirect_vreg.scatter [tilespmem:s0], [sflag:$0x1], $0x80, v4, vm0, $0xb8;
	[tilespmem:$0x18100] =	vst v63  }
0x9d: {  	s0 =	simm.s32 $0x13100  }
0x9e: {  	[hbm4b:s5+s2] =	stream.indirect_vreg.scatter [tilespmem:s0], [sflag:$0x1], $0x80, v4, vm0, $0xb8;
	[tilespmem:$0x18100] =	vst v63  }
0x9f: {  	s0 =	simm.s32 $0x13900  }
0xa0: {  	[hbm4b:s3+s2] =	stream.indirect_vreg.scatter [tilespmem:s0], [sflag:$0x1], $0x80, v3, vm0, $0xb8;
	[tilespmem:$0x18100] =	vst v63  }
0xa1: {  	s0 =	simm.s32 $0x14100  }
0xa2: {  	[hbm4b:s4+s2] =	stream.indirect_vreg.scatter [tilespmem:s0], [sflag:$0x1], $0x80, v3, vm0, $0xb8;
	[tilespmem:$0x18100] =	vst v63  }
0xa3: {  	s0 =	simm.s32 $0x14900  }
0xa4: {  	[hbm4b:s5+s2] =	stream.indirect_vreg.scatter [tilespmem:s0], [sflag:$0x1], $0x80, v3, vm0, $0xb8;
	[tilespmem:$0x18100] =	vst v63  }
0xa5: {  	v3 =	vld [tilespmem:$0x70];
	_ =	sdelay $0x4  }
0xa6: {  	v55 =	vshrl.u32 v3, $0x3  }
0xa7: {  	v4 =	vmul.u32 $0x30, v55  }
0xa8: {  	v3 =	vand.u32 $0x7, v3  }
0xa9: {  	v3 =	vor.u32 v3, v4  }
0xaa: {  	v4 =	vperm.xlane v3, v0;
	_ =	sdelay $0x1  }
0xab: {  	v4 =	vadd.s32 v1, v4;
	_ =	sdelay $0x3  }
0xac: {  	s0 =	simm.s32 $0x15100;
	v3 =	vperm.xlane v3, v2  }
0xad: {  	[hbm4b:s3+s2] =	stream.indirect_vreg.scatter [tilespmem:s0], [sflag:$0x1], $0x80, v4, vm0, $0xb8;
	[tilespmem:$0x18100] =	vst v63  }
0xae: {  	v3 =	vadd.s32 v1, v3;
	s0 =	simm.s32 $0x15900  }
0xaf: {  	[hbm4b:s4+s2] =	stream.indirect_vreg.scatter [tilespmem:s0], [sflag:$0x1], $0x80, v4, vm0, $0xb8;
	[tilespmem:$0x18100] =	vst v63  }
0xb0: {  	s0 =	simm.s32 $0x16100  }
0xb1: {  	[hbm4b:s5+s2] =	stream.indirect_vreg.scatter [tilespmem:s0], [sflag:$0x1], $0x80, v4, vm0, $0xb8;
	[tilespmem:$0x18100] =	vst v63  }
0xb2: {  	s0 =	simm.s32 $0x16900  }
0xb3: {  	[hbm4b:s3+s2] =	stream.indirect_vreg.scatter [tilespmem:s0], [sflag:$0x1], $0x80, v3, vm0, $0xb8;
	[tilespmem:$0x18100] =	vst v63  }
0xb4: {  	s0 =	simm.s32 $0x17100  }
0xb5: {  	[hbm4b:s4+s2] =	stream.indirect_vreg.scatter [tilespmem:s0], [sflag:$0x1], $0x80, v3, vm0, $0xb8;
	[tilespmem:$0x18100] =	vst v63  }
0xb6: {  	s0 =	simm.s32 $0x17900  }
0xb7: {  	[hbm4b:s5+s2] =	stream.indirect_vreg.scatter [tilespmem:s0], [sflag:$0x1], $0x80, v3, vm0, $0xb8;
	[tilespmem:$0x18100] =	vst v63  }
0xb8: {  	v3 =	vld [tilespmem:$0x80];
	_ =	sdelay $0x4  }
0xb9: {  	v56 =	vshrl.u32 v3, $0x3  }
0xba: {  	v4 =	vmul.u32 $0x30, v56  }
0xbb: {  	v3 =	vand.u32 $0x7, v3  }
0xbc: {  	v3 =	vor.u32 v3, v4  }
0xbd: {  	v4 =	vperm.xlane v3, v0;
	_ =	sdelay $0x1  }
0xbe: {  	v4 =	vadd.s32 v1, v4;
	_ =	sdelay $0x3  }
0xbf: {  	v3 =	vperm.xlane v3, v2  }
0xc0: {  	[hbm4b:s3+s2] =	stream.indirect_vreg.scatter [tilespmem:s1], [sflag:$0x2], $0x80, v4, vm0, $0xb8;
	[tilespmem:$0x18100] =	vst v63  }
0xc1: {  	v3 =	vadd.s32 v1, v3  }
0xc2: {  	[hbm4b:s4+s2] =	stream.indirect_vreg.scatter [tilespmem:s10], [sflag:$0x2], $0x80, v4, vm0, $0xb8;
	[tilespmem:$0x18100] =	vst v63  }
0xc3: {  	_ = 	snop  }
0xc4: {  	[hbm4b:s5+s2] =	stream.indirect_vreg.scatter [tilespmem:s11], [sflag:$0x2], $0x80, v4, vm0, $0xb8;
	[tilespmem:$0x18100] =	vst v63  }
0xc5: {  	_ = 	snop  }
0xc6: {  	[hbm4b:s3+s2] =	stream.indirect_vreg.scatter [tilespmem:s12], [sflag:$0x2], $0x80, v3, vm0, $0xb8;
	[tilespmem:$0x18100] =	vst v63  }
0xc7: {  	_ = 	snop  }
0xc8: {  	[hbm4b:s4+s2] =	stream.indirect_vreg.scatter [tilespmem:s13], [sflag:$0x2], $0x80, v3, vm0, $0xb8;
	[tilespmem:$0x18100] =	vst v63  }
0xc9: {  	_ = 	snop  }
0xca: {  	[hbm4b:s5+s2] =	stream.indirect_vreg.scatter [tilespmem:s14], [sflag:$0x2], $0x80, v3, vm0, $0xb8;
	[tilespmem:$0x18100] =	vst v63  }
0xcb: {  	v3 =	vld [tilespmem:$0x90];
	_ =	sdelay $0x4  }
0xcc: {  	v57 =	vshrl.u32 v3, $0x3  }
0xcd: {  	v4 =	vmul.u32 $0x30, v57  }
0xce: {  	v3 =	vand.u32 $0x7, v3  }
0xcf: {  	v3 =	vor.u32 v3, v4  }
0xd0: {  	v4 =	vperm.xlane v3, v0;
	_ =	sdelay $0x1  }
0xd1: {  	v4 =	vadd.s32 v1, v4;
	_ =	sdelay $0x3  }
0xd2: {  	v3 =	vperm.xlane v3, v2  }
0xd3: {  	[hbm4b:s3+s2] =	stream.indirect_vreg.scatter [tilespmem:s15], [sflag:$0x2], $0x80, v4, vm0, $0xb8;
	[tilespmem:$0x18100] =	vst v63  }
0xd4: {  	v3 =	vadd.s32 v1, v3  }
0xd5: {  	[hbm4b:s4+s2] =	stream.indirect_vreg.scatter [tilespmem:s16], [sflag:$0x2], $0x80, v4, vm0, $0xb8;
	[tilespmem:$0x18100] =	vst v63  }
0xd6: {  	_ = 	snop  }
0xd7: {  	[hbm4b:s5+s2] =	stream.indirect_vreg.scatter [tilespmem:s17], [sflag:$0x2], $0x80, v4, vm0, $0xb8;
	[tilespmem:$0x18100] =	vst v63  }
0xd8: {  	_ = 	snop  }
0xd9: {  	[hbm4b:s3+s2] =	stream.indirect_vreg.scatter [tilespmem:s18], [sflag:$0x2], $0x80, v3, vm0, $0xb8;
	[tilespmem:$0x18100] =	vst v63  }
0xda: {  	_ = 	snop  }
0xdb: {  	[hbm4b:s4+s2] =	stream.indirect_vreg.scatter [tilespmem:s19], [sflag:$0x2], $0x80, v3, vm0, $0xb8;
	[tilespmem:$0x18100] =	vst v63  }
0xdc: {  	_ = 	snop  }
0xdd: {  	[hbm4b:s5+s2] =	stream.indirect_vreg.scatter [tilespmem:s20], [sflag:$0x2], $0x80, v3, vm0, $0xb8;
	[tilespmem:$0x18100] =	vst v63  }
0xde: {  	v3 =	vld [tilespmem:$0xA0];
	_ =	sdelay $0x4  }
0xdf: {  	v58 =	vshrl.u32 v3, $0x3  }
0xe0: {  	v4 =	vmul.u32 $0x30, v58  }
0xe1: {  	v3 =	vand.u32 $0x7, v3  }
0xe2: {  	v3 =	vor.u32 v3, v4  }
0xe3: {  	v4 =	vperm.xlane v3, v0;
	_ =	sdelay $0x1  }
0xe4: {  	v4 =	vadd.s32 v1, v4;
	_ =	sdelay $0x3  }
0xe5: {  	v3 =	vperm.xlane v3, v2  }
0xe6: {  	[hbm4b:s3+s2] =	stream.indirect_vreg.scatter [tilespmem:s21], [sflag:$0x2], $0x80, v4, vm0, $0xb8;
	[tilespmem:$0x18100] =	vst v63  }
0xe7: {  	v3 =	vadd.s32 v1, v3  }
0xe8: {  	[hbm4b:s4+s2] =	stream.indirect_vreg.scatter [tilespmem:s22], [sflag:$0x2], $0x80, v4, vm0, $0xb8;
	[tilespmem:$0x18100] =	vst v63  }
0xe9: {  	_ = 	snop  }
0xea: {  	[hbm4b:s5+s2] =	stream.indirect_vreg.scatter [tilespmem:s23], [sflag:$0x2], $0x80, v4, vm0, $0xb8;
	[tilespmem:$0x18100] =	vst v63  }
0xeb: {  	_ = 	snop  }
0xec: {  	[hbm4b:s3+s2] =	stream.indirect_vreg.scatter [tilespmem:s24], [sflag:$0x2], $0x80, v3, vm0, $0xb8;
	[tilespmem:$0x18100] =	vst v63  }
0xed: {  	_ = 	snop  }
0xee: {  	[hbm4b:s4+s2] =	stream.indirect_vreg.scatter [tilespmem:s25], [sflag:$0x2], $0x80, v3, vm0, $0xb8;
	[tilespmem:$0x18100] =	vst v63  }
0xef: {  	_ = 	snop  }
0xf0: {  	[hbm4b:s5+s2] =	stream.indirect_vreg.scatter [tilespmem:s26], [sflag:$0x2], $0x80, v3, vm0, $0xb8;
	[tilespmem:$0x18100] =	vst v63  }
0xf1: {  	v3 =	vld [tilespmem:$0xB0];
	_ =	sdelay $0x4  }
0xf2: {  	v59 =	vshrl.u32 v3, $0x3  }
0xf3: {  	v4 =	vmul.u32 $0x30, v59  }
0xf4: {  	v3 =	vand.u32 $0x7, v3  }
0xf5: {  	v3 =	vor.u32 v3, v4  }
0xf6: {  	v4 =	vperm.xlane v3, v0;
	_ =	sdelay $0x1  }
0xf7: {  	v4 =	vadd.s32 v1, v4;
	_ =	sdelay $0x3  }
0xf8: {  	v3 =	vperm.xlane v3, v2  }
0xf9: {  	[hbm4b:s3+s2] =	stream.indirect_vreg.scatter [tilespmem:s28], [sflag:$0x2], $0x80, v4, vm0, $0xb8;
	[tilespmem:$0x18100] =	vst v63  }
0xfa: {  	v3 =	vadd.s32 v1, v3  }
0xfb: {  	[hbm4b:s4+s2] =	stream.indirect_vreg.scatter [tilespmem:s29], [sflag:$0x2], $0x80, v4, vm0, $0xb8;
	[tilespmem:$0x18100] =	vst v63  }
0xfc: {  	_ = 	snop  }
0xfd: {  	[hbm4b:s5+s2] =	stream.indirect_vreg.scatter [tilespmem:s30], [sflag:$0x2], $0x80, v4, vm0, $0xb8;
	[tilespmem:$0x18100] =	vst v63  }
0xfe: {  	_ = 	snop  }
0xff: {  	[hbm4b:s3+s2] =	stream.indirect_vreg.scatter [tilespmem:s31], [sflag:$0x2], $0x80, v3, vm0, $0xb8;
	[tilespmem:$0x18100] =	vst v63  }
0x100: {  	s10 =	simm.s32 $0xB100  }
0x101: {  	[hbm4b:s4+s2] =	stream.indirect_vreg.scatter [tilespmem:s10], [sflag:$0x2], $0x80, v3, vm0, $0xb8;
	[tilespmem:$0x18100] =	vst v63  }
0x102: {  	_ = 	snop  }
0x103: {  	[hbm4b:s5+s2] =	stream.indirect_vreg.scatter [tilespmem:s8], [sflag:$0x2], $0x80, v3, vm0, $0xb8;
	[tilespmem:$0x18100] =	vst v63  }
0x104: {  	v3 =	vld [tilespmem:$0xC0];
	_ =	sdelay $0x4  }
0x105: {  	v60 =	vshrl.u32 v3, $0x3  }
0x106: {  	v4 =	vmul.u32 $0x30, v60  }
0x107: {  	v3 =	vand.u32 $0x7, v3  }
0x108: {  	v3 =	vor.u32 v3, v4  }
0x109: {  	v4 =	vperm.xlane v3, v0;
	_ =	sdelay $0x1  }
0x10a: {  	v4 =	vadd.s32 v1, v4;
	_ =	sdelay $0x3  }
0x10b: {  	v3 =	vperm.xlane v3, v2  }
0x10c: {  	[hbm4b:s3+s2] =	stream.indirect_vreg.scatter [tilespmem:s9], [sflag:$0x2], $0x80, v4, vm0, $0xb8;
	[tilespmem:$0x18100] =	vst v63  }
0x10d: {  	s11 =	simm.s32 $0xC900;
	v3 =	vadd.s32 v1, v3  }
0x10e: {  	[hbm4b:s4+s2] =	stream.indirect_vreg.scatter [tilespmem:s11], [sflag:$0x2], $0x80, v4, vm0, $0xb8;
	[tilespmem:$0x18100] =	vst v63  }
0x10f: {  	s10 =	simm.s32 $0xD100  }
0x110: {  	[hbm4b:s5+s2] =	stream.indirect_vreg.scatter [tilespmem:s10], [sflag:$0x2], $0x80, v4, vm0, $0xb8;
	[tilespmem:$0x18100] =	vst v63  }
0x111: {  	s11 =	simm.s32 $0xD900  }
0x112: {  	[hbm4b:s3+s2] =	stream.indirect_vreg.scatter [tilespmem:s11], [sflag:$0x2], $0x80, v3, vm0, $0xb8;
	[tilespmem:$0x18100] =	vst v63  }
0x113: {  	s10 =	simm.s32 $0xE100  }
0x114: {  	[hbm4b:s4+s2] =	stream.indirect_vreg.scatter [tilespmem:s10], [sflag:$0x2], $0x80, v3, vm0, $0xb8;
	[tilespmem:$0x18100] =	vst v63  }
0x115: {  	s11 =	simm.s32 $0xE900  }
0x116: {  	[hbm4b:s5+s2] =	stream.indirect_vreg.scatter [tilespmem:s11], [sflag:$0x2], $0x80, v3, vm0, $0xb8;
	[tilespmem:$0x18100] =	vst v63  }
0x117: {  	v3 =	vld [tilespmem:$0xD0];
	_ =	sdelay $0x4  }
0x118: {  	v61 =	vshrl.u32 v3, $0x3  }
0x119: {  	v4 =	vmul.u32 $0x30, v61  }
0x11a: {  	v3 =	vand.u32 $0x7, v3  }
0x11b: {  	v3 =	vor.u32 v3, v4  }
0x11c: {  	v4 =	vperm.xlane v3, v0;
	_ =	sdelay $0x1  }
0x11d: {  	v4 =	vadd.s32 v1, v4;
	_ =	sdelay $0x3  }
0x11e: {  	s10 =	simm.s32 $0xF100;
	v3 =	vperm.xlane v3, v2  }
0x11f: {  	[hbm4b:s3+s2] =	stream.indirect_vreg.scatter [tilespmem:s10], [sflag:$0x2], $0x80, v4, vm0, $0xb8;
	[tilespmem:$0x18100] =	vst v63  }
0x120: {  	s11 =	simm.s32 $0xF900;
	v3 =	vadd.s32 v1, v3  }
0x121: {  	[hbm4b:s4+s2] =	stream.indirect_vreg.scatter [tilespmem:s11], [sflag:$0x2], $0x80, v4, vm0, $0xb8;
	[tilespmem:$0x18100] =	vst v63  }
0x122: {  	s10 =	simm.s32 $0x10100  }
0x123: {  	[hbm4b:s5+s2] =	stream.indirect_vreg.scatter [tilespmem:s10], [sflag:$0x2], $0x80, v4, vm0, $0xb8;
	[tilespmem:$0x18100] =	vst v63  }
0x124: {  	s11 =	simm.s32 $0x10900  }
0x125: {  	[hbm4b:s3+s2] =	stream.indirect_vreg.scatter [tilespmem:s11], [sflag:$0x2], $0x80, v3, vm0, $0xb8;
	[tilespmem:$0x18100] =	vst v63  }
0x126: {  	s10 =	simm.s32 $0x11100  }
0x127: {  	[hbm4b:s4+s2] =	stream.indirect_vreg.scatter [tilespmem:s10], [sflag:$0x2], $0x80, v3, vm0, $0xb8;
	[tilespmem:$0x18100] =	vst v63  }
0x128: {  	s11 =	simm.s32 $0x11900  }
0x129: {  	[hbm4b:s5+s2] =	stream.indirect_vreg.scatter [tilespmem:s11], [sflag:$0x2], $0x80, v3, vm0, $0xb8;
	[tilespmem:$0x18100] =	vst v63  }
0x12a: {  	v3 =	vld [tilespmem:$0xE0];
	_ =	sdelay $0x4  }
0x12b: {  	v62 =	vshrl.u32 v3, $0x3  }
0x12c: {  	v4 =	vmul.u32 $0x30, v62  }
0x12d: {  	v3 =	vand.u32 $0x7, v3  }
0x12e: {  	v3 =	vor.u32 v3, v4  }
0x12f: {  	v4 =	vperm.xlane v3, v0;
	_ =	sdelay $0x1  }
0x130: {  	v4 =	vadd.s32 v1, v4;
	_ =	sdelay $0x3  }
0x131: {  	s10 =	simm.s32 $0x12100;
	v3 =	vperm.xlane v3, v2  }
0x132: {  	[hbm4b:s3+s2] =	stream.indirect_vreg.scatter [tilespmem:s10], [sflag:$0x2], $0x80, v4, vm0, $0xb8;
	[tilespmem:$0x18100] =	vst v63  }
0x133: {  	s11 =	simm.s32 $0x12900;
	v3 =	vadd.s32 v1, v3  }
0x134: {  	[hbm4b:s4+s2] =	stream.indirect_vreg.scatter [tilespmem:s11], [sflag:$0x2], $0x80, v4, vm0, $0xb8;
	[tilespmem:$0x18100] =	vst v63  }
0x135: {  	s10 =	simm.s32 $0x13100  }
0x136: {  	[hbm4b:s5+s2] =	stream.indirect_vreg.scatter [tilespmem:s10], [sflag:$0x2], $0x80, v4, vm0, $0xb8;
	[tilespmem:$0x18100] =	vst v63  }
0x137: {  	s11 =	simm.s32 $0x13900  }
0x138: {  	[hbm4b:s3+s2] =	stream.indirect_vreg.scatter [tilespmem:s11], [sflag:$0x2], $0x80, v3, vm0, $0xb8;
	[tilespmem:$0x18100] =	vst v63  }
0x139: {  	s10 =	simm.s32 $0x14100  }
0x13a: {  	[hbm4b:s4+s2] =	stream.indirect_vreg.scatter [tilespmem:s10], [sflag:$0x2], $0x80, v3, vm0, $0xb8;
	[tilespmem:$0x18100] =	vst v63  }
0x13b: {  	s11 =	simm.s32 $0x14900  }
0x13c: {  	[hbm4b:s5+s2] =	stream.indirect_vreg.scatter [tilespmem:s11], [sflag:$0x2], $0x80, v3, vm0, $0xb8;
	[tilespmem:$0x18100] =	vst v63  }
0x13d: {  	v3 =	vld [tilespmem:$0xF0];
	_ =	sdelay $0x4  }
0x13e: {  	v63 =	vshrl.u32 v3, $0x3  }
0x13f: {  	v4 =	vmul.u32 $0x30, v63  }
0x140: {  	v3 =	vand.u32 $0x7, v3  }
0x141: {  	v3 =	vor.u32 v3, v4  }
0x142: {  	v4 =	vperm.xlane v3, v0;
	_ =	sdelay $0x1  }
0x143: {  	v4 =	vadd.s32 v1, v4;
	_ =	sdelay $0x3  }
0x144: {  	s10 =	simm.s32 $0x15100;
	v3 =	vperm.xlane v3, v2  }
0x145: {  	[hbm4b:s3+s2] =	stream.indirect_vreg.scatter [tilespmem:s10], [sflag:$0x2], $0x80, v4, vm0, $0xb8;
	[tilespmem:$0x18100] =	vst v63  }
0x146: {  	s11 =	simm.s32 $0x15900;
	v3 =	vadd.s32 v1, v3  }
0x147: {  	[hbm4b:s4+s2] =	stream.indirect_vreg.scatter [tilespmem:s11], [sflag:$0x2], $0x80, v4, vm0, $0xb8;
	[tilespmem:$0x18100] =	vst v63  }
0x148: {  	s10 =	simm.s32 $0x16100  }
0x149: {  	[hbm4b:s5+s2] =	stream.indirect_vreg.scatter [tilespmem:s10], [sflag:$0x2], $0x80, v4, vm0, $0xb8;
	[tilespmem:$0x18100] =	vst v63  }
0x14a: {  	s11 =	simm.s32 $0x16900  }
0x14b: {  	[hbm4b:s3+s2] =	stream.indirect_vreg.scatter [tilespmem:s11], [sflag:$0x2], $0x80, v3, vm0, $0xb8;
	[tilespmem:$0x18100] =	vst v63  }
0x14c: {  	s10 =	simm.s32 $0x17100  }
0x14d: {  	[hbm4b:s4+s2] =	stream.indirect_vreg.scatter [tilespmem:s10], [sflag:$0x2], $0x80, v3, vm0, $0xb8;
	[tilespmem:$0x18100] =	vst v63  }
0x14e: {  	s11 =	simm.s32 $0x17900;
	s10 =	simm.s32 $0x1  }
0x14f: {  	[hbm4b:s5+s2] =	stream.indirect_vreg.scatter [tilespmem:s11], [sflag:$0x2], $0x80, v3, vm0, $0xb8;
	[tilespmem:$0x18100] =	vst v63  }
0x150: {  	p0 =	sne.s32 s6, $0x1;
	_ =	swait.ge [sflag:s10], $0x18000  }
.Ltmp0:
0x151: {  	[sflag:s10] =	ssyncset.done $0x0;
	(pc) =	sbr.rel @p0 .LBB2_1-.Ltmp0, $4  }
0x152: {  	s11 =	simm.s32 $0x2;
	[sflag:s10] =	ssyncadd.s32 $0xFFFE8000  }
0x153: {  	_ =	swait.ge [sflag:s11], $0x18000  }
0x154: {  	[sflag:s11] =	ssyncset.done $0x0  }
0x155: {  	s6 =	sadd.s32 $0xFFFFFFFF, s6;
	[sflag:s11] =	ssyncadd.s32 $0xFFFE8000  }
0x156: {  	_ =	sfence.sel $0x180000  }
0x157: {  	[bflag:$0x0] =	sbarrier.arrive $0xFFFF  }
0x158: {  	_ =	strace $0x90000047  }
0x159: {  	s0 =	stileid.u32;
	[bflag:$0x2] =	sbarrier.arrive $0xFFFF  }
0x15a: {  	p0 =	sne.s32 s0, $0x0;
	s0 =	rddreg [dreg:$0x2]  }
0x15b: {  	s0 =	sadd.s32 @!p0 $0x100000, s0  }
0x15c: {  	[sflag:s0] =	ssyncadd.tile.s32 @!p0 $0x1;
	_ =	shalt  }
.Lfunc_end2:
_tile_overlayer_lowered:
.L_overlay_start_2:
0x15d: {  	(tag) =	ssettag $0x2  }
0x15e: {  	s0 =	rddreg [dreg:$0x0];
	s2 =	stileid.u32  }
0x15f: {  	s1 =	rddreg [dreg:$0x1];
	p0 =	sne.s32 s2, $0x0  }
0x160: {  	s3 =	rddreg [dreg:$0x2];
	[bflag:$0x3] =	sbarrier.arrive $0xFFFF;
	s2 =	simm.s32 @!p0 $0x1C03  }
0x161: {  	[timem:s3], [sflag:s2] =	dma.local @!p0 [hbm:s0], s1  }
0x162: {  	s0 =	simm.s32 @!p0 $0x3  }
0x163: {  	_ =	swait.ge @!p0 [sflag:s0], s1  }
0x164: {  	s1 =	ssub.s32 @!p0 $0x0, s1;
	[sflag:s0] =	ssyncset.done @!p0 $0x0  }
0x165: {  	[sflag:s0] =	ssyncadd.s32 @!p0 s1  }
0x166: {  	[bflag:$0x3] =	sbarrier.arrive $0xFFFF  }
0x167: {  	_ =	shalt  }

</sc_bundles>
